<compile_context>
chip_gen: v7x
topology: tpu7x:2x2x1
jax: 0.10.2.dev20260603
libtpu: 0.0.44.dev20260713+nightly
codegen_flags: <defaults>
</compile_context>

<pallas_src>
import functools

import jax
import jax.numpy as jnp
from jax import lax
from jax.experimental import pallas as pl
from jax.experimental.pallas import tpu as pltpu
from jax.experimental.pallas import tpu_sc as plsc

_EPS = 1e-5
_K = 80




def _make_sc_agg(n, e, d):
  info = plsc.get_sparse_core_info()
  nc, ns = info.num_cores, info.num_subcores
  nw = nc * ns
  ept = e // nw
  k = _K
  chunks = -(-ept // k)
  ept_pad = chunks * k
  rows_per_tile = n // ns
  zfull, zrem = divmod(rows_per_tile, k)
  assert e % nw == 0 and n % ns == 0 and zrem <= k
  mesh = plsc.VectorSubcoreMesh(core_axis_name="c", subcore_axis_name="s")

  @functools.partial(
      pl.kernel,
      out_type=jax.ShapeDtypeStruct((nc, n, d), jnp.float32),
      mesh=mesh,
      scratch_types=[
          pltpu.VMEM((ept_pad,), jnp.int32),
          pltpu.VMEM((chunks, k), jnp.int32),
          pltpu.VMEM((k, d), jnp.float32),
          pltpu.VMEM((k, d), jnp.float32),
          pltpu.VMEM_SHARED((n + (ns if ept % _K else 0), d),
                            jnp.float32),
          pltpu.SemaphoreType.DMA,
          pltpu.SemaphoreType.DMA,
          pltpu.SemaphoreType.DMA,
      ],
  )
  def sc_agg(h_hbm, src_hbm, dst_hbm, out_hbm, src_v, dst_v, rows_a,
             rows_b, acc, sem_i, sem_a, sem_b):
    cid = lax.axis_index("c")
    sid = lax.axis_index("s")
    wid = cid * ns + sid

    idx_a = pltpu.async_copy(src_hbm.at[wid], src_v, sem_i)
    idx_b = pltpu.async_copy(dst_hbm.at[wid], dst_v, sem_i)

    zero16 = jnp.zeros((16,), jnp.float32)

    def zfill(r, _):
      for c in range(d // 16):
        rows_a[r, pl.ds(c * 16, 16)] = zero16
      return 0

    lax.fori_loop(0, k, zfill, 0)
    row0 = sid * rows_per_tile

    def zcopy(i, _):
      pltpu.sync_copy(rows_a, acc.at[pl.ds(row0 + i * k, k)])
      return 0

    lax.fori_loop(0, zfull, zcopy, 0)
    if zrem:
      pltpu.sync_copy(rows_a.at[pl.ds(0, zrem)],
                      acc.at[pl.ds(row0 + zfull * k, zrem)])
    idx_a.wait()
    idx_b.wait()
    plsc.subcore_barrier()

    bufs = (rows_a, rows_b)
    gsems = (sem_a, sem_b)
    pltpu.async_copy(h_hbm.at[src_v.at[pl.ds(0, k)]], rows_a, sem_a)

    def edge_pair(i0, _):
      for b in range(2):
        i = i0 + b
        rows = bufs[b]
        pltpu.make_async_copy(
            h_hbm.at[src_v.at[pl.ds(i * k, k)]], rows, gsems[b]).wait()

        @pl.when(i + 1 < chunks)
        def _():
          pltpu.async_copy(
              h_hbm.at[src_v.at[pl.ds((i + 1) * k, k)]], bufs[1 - b],
              gsems[1 - b])

        pltpu.sync_copy(rows, acc.at[dst_v.at[i]], add=True)
      return 0

    lax.fori_loop(0, chunks // 2, lambda j, c: edge_pair(j * 2, c), 0)
    if chunks % 2:
      i = chunks - 1
      rows = bufs[i % 2]
      pltpu.make_async_copy(
          h_hbm.at[src_v.at[pl.ds(i * k, k)]], rows, gsems[i % 2]).wait()
      pltpu.sync_copy(rows, acc.at[dst_v.at[i]], add=True)
    plsc.subcore_barrier()

    out_rows = n // 10

    @pl.when(sid < 10)
    def _():
      pltpu.sync_copy(
          acc.at[pl.ds(sid * out_rows, out_rows)],
          out_hbm.at[cid, pl.ds(sid * out_rows, out_rows)],
      )

  return sc_agg




def _bn_relu(z, gamma, beta):
  m = jnp.mean(z, axis=0)
  zc = z - m
  v = jnp.mean(zc * zc, axis=0)
  return jnp.maximum(zc * lax.rsqrt(v + _EPS) * gamma + beta, 0.0)


def _mlp_and_readout(g, h, a, w1, b1, g1, be1, w2, b2, go, beo, bat):
  z = h[...] + a[0] + a[1]
  z = jnp.dot(z, w1[...], preferred_element_type=jnp.float32) + b1[...]
  z = _bn_relu(z, g1[...], be1[...])
  z = jnp.dot(z, w2[...], preferred_element_type=jnp.float32) + b2[...]
  z = _bn_relu(z, go[...], beo[...])
  n = z.shape[0]
  oh = (bat[...] == lax.broadcasted_iota(jnp.int32, (n, g), 1)).astype(
      jnp.float32)
  ro = lax.dot_general(
      oh, z, (((0,), (0,)), ((), ())), preferred_element_type=jnp.float32)
  return z, ro


def _tc_layer_body(g, h, a, w1, b1, g1, be1, w2, b2, go, beo, bat, hout, rout):
  z, ro = _mlp_and_readout(g, h, a, w1, b1, g1, be1, w2, b2, go, beo, bat)
  hout[...] = z
  rout[...] = ro


def _tc_last_body(g, hdim, h, a, w1, b1, g1, be1, w2, b2, go, beo, bat,
                  r0, r1, wc1, bc1, wc2, bc2, out):
  _, ro2 = _mlp_and_readout(g, h, a, w1, b1, g1, be1, w2, b2, go, beo, bat)
  hg = (jnp.dot(r0[...], wc1[pl.ds(0, hdim)],
                preferred_element_type=jnp.float32) +
        jnp.dot(r1[...], wc1[pl.ds(hdim, hdim)],
                preferred_element_type=jnp.float32) +
        jnp.dot(ro2, wc1[pl.ds(2 * hdim, hdim)],
                preferred_element_type=jnp.float32) + bc1[...])
  hc = jnp.maximum(hg, 0.0)
  out[...] = jnp.dot(hc, wc2[...],
                     preferred_element_type=jnp.float32) + bc2[...]


def _layer_args(p, bat2d):
  return (p["W1"], p["b1"][None, :], p["g1"][None, :], p["be1"][None, :],
          p["W2"], p["b2"][None, :], p["g_out"][None, :], p["be_out"][None, :],
          bat2d)


def kernel(x, params, edge_index, batch):
  n, d = x.shape
  e = edge_index.shape[1]
  num_layers = sum(1 for key in params if key.startswith("layer"))
  g = 64

  sc_agg = _make_sc_agg(n, e, d)
  nw = 32
  ept = e // nw
  chunks = -(-ept // _K)
  pad = chunks * _K - ept
  if pad:
    dummy_row = n + (jnp.arange(nw, dtype=jnp.int32) % 16)[:, None]
    src = jnp.concatenate(
        [edge_index[0].reshape(nw, ept),
         jnp.zeros((nw, pad), jnp.int32)], axis=1)
    dst = jnp.concatenate(
        [edge_index[1].reshape(nw, ept),
         jnp.broadcast_to(dummy_row, (nw, pad))], axis=1).reshape(
             nw, chunks, _K)
  else:
    src = edge_index[0].reshape(nw, ept)
    dst = edge_index[1].reshape(nw, chunks, _K)
  bat2d = batch[:, None]

  h = x
  readouts = []
  for i in range(num_layers - 1):
    p = params["layer%d" % i]
    aggs = sc_agg(h, src, dst)
    h, ro = pl.pallas_call(
        functools.partial(_tc_layer_body, g),
        out_shape=(
            jax.ShapeDtypeStruct((n, p["W2"].shape[1]), jnp.float32),
            jax.ShapeDtypeStruct((g, p["W2"].shape[1]), jnp.float32),
        ),
    )(h, aggs, *_layer_args(p, bat2d))
    readouts.append(ro)

  p = params["layer%d" % (num_layers - 1)]
  hdim = params["Wc2"].shape[0]
  c = params["Wc2"].shape[1]
  aggs = sc_agg(h, src, dst)
  out = pl.pallas_call(
      functools.partial(_tc_last_body, g, hdim),
      out_shape=jax.ShapeDtypeStruct((g, c), jnp.float32),
  )(h, aggs, *_layer_args(p, bat2d), readouts[0], readouts[1],
    params["Wc1"], params["bc1"][None, :], params["Wc2"],
    params["bc2"][None, :])
  return out

# --- scband reference (transcript-rebuilt; emitter-appended) ---
"""Pipeline reference for scband-ginclassifier-1769526526272 (READ-ONLY COPY).

The authoritative reference and input builder live on the scoring server;
editing this copy changes nothing except your own understanding.
"""

import jax, jax.numpy as jnp
import numpy as np

N = 10000
E = 320000
D = 128
H = 128
L = 3
G = 64
C = 10


def _bn(z, gamma, beta):
    # BatchNorm1d in training mode: batch statistics (biased variance), eps=1e-5
    mean = jnp.mean(z, axis=0)
    var = jnp.var(z, axis=0)
    return (z - mean) / jnp.sqrt(var + 1e-5) * gamma + beta


def setup_inputs(seed: int = 0) -> dict:
    key = jax.random.key(seed)
    ks = jax.random.split(key, 40)
    x = jax.random.normal(ks[0], (N, D), dtype=jnp.float32)
    edge_index = jax.random.randint(ks[1], (2, E), 0, N, dtype=jnp.int32)
    batch = jnp.sort(jax.random.randint(ks[2], (N,), 0, G, dtype=jnp.int32))
    params = {}
    k_idx = 3
    for i in range(L):
        in_dim = D if i == 0 else H
        lp = {}
        lp['W1'] = jax.random.normal(ks[k_idx], (in_dim, H), dtype=jnp.float32) * (1.0 / np.sqrt(in_dim)); k_idx += 1
        lp['b1'] = jnp.zeros((H,), dtype=jnp.float32)
        lp['g1'] = jnp.ones((H,), dtype=jnp.float32)
        lp['be1'] = jnp.zeros((H,), dtype=jnp.float32)
        lp['W2'] = jax.random.normal(ks[k_idx], (H, H), dtype=jnp.float32) * (1.0 / np.sqrt(H)); k_idx += 1
        lp['b2'] = jnp.zeros((H,), dtype=jnp.float32)
        lp['g_out'] = jnp.ones((H,), dtype=jnp.float32)
        lp['be_out'] = jnp.zeros((H,), dtype=jnp.float32)
        params['layer%d' % i] = lp
    params['Wc1'] = jax.random.normal(ks[k_idx], (H * L, H), dtype=jnp.float32) * (1.0 / np.sqrt(H * L)); k_idx += 1
    params['bc1'] = jnp.zeros((H,), dtype=jnp.float32)
    params['Wc2'] = jax.random.normal(ks[k_idx], (H, C), dtype=jnp.float32) * (1.0 / np.sqrt(H)); k_idx += 1
    params['bc2'] = jnp.zeros((C,), dtype=jnp.float32)
    return {'x': x, 'params': params, 'edge_index': edge_index, 'batch': batch}


def reference(x, params, edge_index, batch):
    src = edge_index[0]
    dst = edge_index[1]
    h = x
    readouts = []
    for i in range(L):
        p = params['layer%d' % i]
        # GINConv with eps=0: (1+eps)*x + sum_{j in N(i)} x_j  (scatter-add to dst)
        agg = jnp.zeros_like(h).at[dst].add(h[src])
        z = h + agg
        # MLP: Linear -> BatchNorm1d -> ReLU -> Linear
        z = z @ p['W1'] + p['b1']
        z = _bn(z, p['g1'], p['be1'])
        z = jax.nn.relu(z)
        z = z @ p['W2'] + p['b2']
        # outer BatchNorm1d + ReLU
        z = _bn(z, p['g_out'], p['be_out'])
        h = jax.nn.relu(z)
        # global_add_pool: segment sum per graph id
        readouts.append(jax.ops.segment_sum(h, batch, num_segments=G))
    h_graph = jnp.concatenate(readouts, axis=1)
    hc = jax.nn.relu(h_graph @ params['Wc1'] + params['bc1'])
    # Dropout is identity here (deterministic reference)
    out = hc @ params['Wc2'] + params['bc2']
    return out

if __name__ == "__main__":
    import jax
    _d = setup_inputs()
    print(jax.jit(kernel)(*tuple(_d.values())))

</pallas_src>

<mosaic_0001>
#map = affine_map<(d0, d1) -> (0, 0)>
#map1 = affine_map<(d0, d1) -> (0, 0, 0)>
module attributes {stable_mosaic.version = 14 : i64} {
  func.func @sc_agg(%arg0: i32, %arg1: i32, %arg2: memref<10000x128xf32, #tpu.memory_space<hbm>>, %arg3: memref<32x10000xi32, #tpu.memory_space<hbm>>, %arg4: memref<32x125x80xi32, #tpu.memory_space<hbm>>, %arg5: memref<2x10000x128xf32, #tpu.memory_space<hbm>>, %arg6: memref<10000xi32, #tpu.memory_space<vmem>>, %arg7: memref<125x80xi32, #tpu.memory_space<vmem>>, %arg8: memref<80x128xf32, #tpu.memory_space<vmem>>, %arg9: memref<80x128xf32, #tpu.memory_space<vmem>>, %arg10: memref<10000x128xf32, #tpu.memory_space<vmem_shared>>, %arg11: memref<!tpu.dma_semaphore, #tpu.memory_space<semaphore_mem>>, %arg12: memref<!tpu.dma_semaphore, #tpu.memory_space<semaphore_mem>>, %arg13: memref<!tpu.dma_semaphore, #tpu.memory_space<semaphore_mem>>) attributes {dimension_semantics = [#tpu.dimension_semantics<core_parallel>, #tpu.dimension_semantics<subcore_parallel>], iteration_bounds = array<i64: 2, 16>, scalar_prefetch = 0 : i64, scratch_operands = 8 : i64, tpu.core_type = #tpu.core_type<sc_vector_subcore>, window_params = [{transform_indices = #map}, {transform_indices = #map}, {transform_indices = #map1}, {transform_indices = #map1}]} {
    %mul3A = arith.constant 16 : i32
    %mul3A_0 = arith.muli %arg0, %mul3A : i32
    %add3A = arith.addi %mul3A_0, %arg1 : i32
    %dma_start3A = arith.constant 0 : i32
    %dma_start3A_1 = tpu.memref_slice %arg3[%add3A, %dma_start3A] : memref<32x10000xi32, #tpu.memory_space<hbm>> -> memref<1x10000xi32, #tpu.memory_space<hbm>>
    %dma_start3A_2 = tpu.memref_squeeze %dma_start3A_1 : memref<1x10000xi32, #tpu.memory_space<hbm>> -> memref<10000xi32, #tpu.memory_space<hbm>>
    %dma_start3A_3 = arith.constant 0 : i32
    %dma_start3A_4 = tpu.memref_slice %arg3[%add3A, %dma_start3A_3] : memref<32x10000xi32, #tpu.memory_space<hbm>> -> memref<1x10000xi32, #tpu.memory_space<hbm>>
    %dma_start3A_5 = tpu.memref_squeeze %dma_start3A_4 : memref<1x10000xi32, #tpu.memory_space<hbm>> -> memref<10000xi32, #tpu.memory_space<hbm>>
    tpu.enqueue_dma source(%dma_start3A_5 : memref<10000xi32, #tpu.memory_space<hbm>>) target(%arg6 : memref<10000xi32, #tpu.memory_space<vmem>>) target_semaphore(%arg11 : memref<!tpu.dma_semaphore, #tpu.memory_space<semaphore_mem>>)
    %dma_start3A_6 = arith.constant 0 : i32
    %dma_start3A_7 = arith.constant 0 : i32
    %dma_start3A_8 = tpu.memref_slice %arg4[%add3A, %dma_start3A_6, %dma_start3A_7] : memref<32x125x80xi32, #tpu.memory_space<hbm>> -> memref<1x125x80xi32, #tpu.memory_space<hbm>>
    %dma_start3A_9 = tpu.memref_squeeze %dma_start3A_8 : memref<1x125x80xi32, #tpu.memory_space<hbm>> -> memref<125x80xi32, #tpu.memory_space<hbm>>
    %dma_start3A_10 = arith.constant 0 : i32
    %dma_start3A_11 = arith.constant 0 : i32
    %dma_start3A_12 = tpu.memref_slice %arg4[%add3A, %dma_start3A_10, %dma_start3A_11] : memref<32x125x80xi32, #tpu.memory_space<hbm>> -> memref<1x125x80xi32, #tpu.memory_space<hbm>>
    %dma_start3A_13 = tpu.memref_squeeze %dma_start3A_12 : memref<1x125x80xi32, #tpu.memory_space<hbm>> -> memref<125x80xi32, #tpu.memory_space<hbm>>
    tpu.enqueue_dma source(%dma_start3A_13 : memref<125x80xi32, #tpu.memory_space<hbm>>) target(%arg7 : memref<125x80xi32, #tpu.memory_space<vmem>>) target_semaphore(%arg11 : memref<!tpu.dma_semaphore, #tpu.memory_space<semaphore_mem>>)
    %broadcast_in_dim3A = arith.constant 0.000000e+00 : f32
    %broadcast_in_dim3A_14 = vector.broadcast %broadcast_in_dim3A : f32 to vector<16xf32>
    %scan3A = arith.constant 0 : i32
    %scan3A_15 = arith.constant 0 : i32
    %scan3A_16 = arith.constant 80 : i32
    %scan3A_17 = arith.addi %scan3A_15, %scan3A_16 : i32
    %scan3A_18 = arith.constant 1 : i32
    %scan3A_19 = scf.for %scan3A_65 = %scan3A_15 to %scan3A_17 step %scan3A_18 iter_args(%scan3A_66 = %scan3A) -> (i32)  : i32 {
      %swap3A = arith.index_cast %scan3A_65 : i32 to index
      %swap3A_67 = arith.constant 0 : index
      %swap3A_68 = tpu.vector_load %arg8[%swap3A, %swap3A_67] {strides = array<i32>} : memref<80x128xf32, #tpu.memory_space<vmem>>, vector<1x16xf32>,
      %swap3A_69 = vector.shape_cast %swap3A_68 : vector<1x16xf32> to vector<16xf32>
      %swap3A_70 = vector.shape_cast %broadcast_in_dim3A_14 : vector<16xf32> to vector<1x16xf32>
      tpu.vector_store %arg8[%swap3A, %swap3A_67], %swap3A_70 {strides = array<i32>} : memref<80x128xf32, #tpu.memory_space<vmem>>, vector<1x16xf32>,
      %swap3A_71 = arith.index_cast %scan3A_65 : i32 to index
      %swap3A_72 = arith.constant 16 : index
      %swap3A_73 = tpu.vector_load %arg8[%swap3A_71, %swap3A_72] {strides = array<i32>} : memref<80x128xf32, #tpu.memory_space<vmem>>, vector<1x16xf32>,
      %swap3A_74 = vector.shape_cast %swap3A_73 : vector<1x16xf32> to vector<16xf32>
      %swap3A_75 = vector.shape_cast %broadcast_in_dim3A_14 : vector<16xf32> to vector<1x16xf32>
      tpu.vector_store %arg8[%swap3A_71, %swap3A_72], %swap3A_75 {strides = array<i32>} : memref<80x128xf32, #tpu.memory_space<vmem>>, vector<1x16xf32>,
      %swap3A_76 = arith.index_cast %scan3A_65 : i32 to index
      %swap3A_77 = arith.constant 32 : index
      %swap3A_78 = tpu.vector_load %arg8[%swap3A_76, %swap3A_77] {strides = array<i32>} : memref<80x128xf32, #tpu.memory_space<vmem>>, vector<1x16xf32>,
      %swap3A_79 = vector.shape_cast %swap3A_78 : vector<1x16xf32> to vector<16xf32>
      %swap3A_80 = vector.shape_cast %broadcast_in_dim3A_14 : vector<16xf32> to vector<1x16xf32>
      tpu.vector_store %arg8[%swap3A_76, %swap3A_77], %swap3A_80 {strides = array<i32>} : memref<80x128xf32, #tpu.memory_space<vmem>>, vector<1x16xf32>,
      %swap3A_81 = arith.index_cast %scan3A_65 : i32 to index
      %swap3A_82 = arith.constant 48 : index
      %swap3A_83 = tpu.vector_load %arg8[%swap3A_81, %swap3A_82] {strides = array<i32>} : memref<80x128xf32, #tpu.memory_space<vmem>>, vector<1x16xf32>,
      %swap3A_84 = vector.shape_cast %swap3A_83 : vector<1x16xf32> to vector<16xf32>
      %swap3A_85 = vector.shape_cast %broadcast_in_dim3A_14 : vector<16xf32> to vector<1x16xf32>
      tpu.vector_store %arg8[%swap3A_81, %swap3A_82], %swap3A_85 {strides = array<i32>} : memref<80x128xf32, #tpu.memory_space<vmem>>, vector<1x16xf32>,
      %swap3A_86 = arith.index_cast %scan3A_65 : i32 to index
      %swap3A_87 = arith.constant 64 : index
      %swap3A_88 = tpu.vector_load %arg8[%swap3A_86, %swap3A_87] {strides = array<i32>} : memref<80x128xf32, #tpu.memory_space<vmem>>, vector<1x16xf32>,
      %swap3A_89 = vector.shape_cast %swap3A_88 : vector<1x16xf32> to vector<16xf32>
      %swap3A_90 = vector.shape_cast %broadcast_in_dim3A_14 : vector<16xf32> to vector<1x16xf32>
      tpu.vector_store %arg8[%swap3A_86, %swap3A_87], %swap3A_90 {strides = array<i32>} : memref<80x128xf32, #tpu.memory_space<vmem>>, vector<1x16xf32>,
      %swap3A_91 = arith.index_cast %scan3A_65 : i32 to index
      %swap3A_92 = arith.constant 80 : index
      %swap3A_93 = tpu.vector_load %arg8[%swap3A_91, %swap3A_92] {strides = array<i32>} : memref<80x128xf32, #tpu.memory_space<vmem>>, vector<1x16xf32>,
      %swap3A_94 = vector.shape_cast %swap3A_93 : vector<1x16xf32> to vector<16xf32>
      %swap3A_95 = vector.shape_cast %broadcast_in_dim3A_14 : vector<16xf32> to vector<1x16xf32>
      tpu.vector_store %arg8[%swap3A_91, %swap3A_92], %swap3A_95 {strides = array<i32>} : memref<80x128xf32, #tpu.memory_space<vmem>>, vector<1x16xf32>,
      %swap3A_96 = arith.index_cast %scan3A_65 : i32 to index
      %swap3A_97 = arith.constant 96 : index
      %swap3A_98 = tpu.vector_load %arg8[%swap3A_96, %swap3A_97] {strides = array<i32>} : memref<80x128xf32, #tpu.memory_space<vmem>>, vector<1x16xf32>,
      %swap3A_99 = vector.shape_cast %swap3A_98 : vector<1x16xf32> to vector<16xf32>
      %swap3A_100 = vector.shape_cast %broadcast_in_dim3A_14 : vector<16xf32> to vector<1x16xf32>
      tpu.vector_store %arg8[%swap3A_96, %swap3A_97], %swap3A_100 {strides = array<i32>} : memref<80x128xf32, #tpu.memory_space<vmem>>, vector<1x16xf32>,
      %swap3A_101 = arith.index_cast %scan3A_65 : i32 to index
      %swap3A_102 = arith.constant 112 : index
      %swap3A_103 = tpu.vector_load %arg8[%swap3A_101, %swap3A_102] {strides = array<i32>} : memref<80x128xf32, #tpu.memory_space<vmem>>, vector<1x16xf32>,
      %swap3A_104 = vector.shape_cast %swap3A_103 : vector<1x16xf32> to vector<16xf32>
      %swap3A_105 = vector.shape_cast %broadcast_in_dim3A_14 : vector<16xf32> to vector<1x16xf32>
      tpu.vector_store %arg8[%swap3A_101, %swap3A_102], %swap3A_105 {strides = array<i32>} : memref<80x128xf32, #tpu.memory_space<vmem>>, vector<1x16xf32>,
      %scan3A_106 = arith.constant 0 : i32
      scf.yield %scan3A_106 : i32
    }
    %scan3A_20 = arith.constant 80 : i32
    %mul3A_21 = arith.constant 625 : i32
    %mul3A_22 = arith.muli %arg1, %mul3A_21 : i32
    %scan3A_23 = arith.constant 0 : i32
    %scan3A_24 = arith.constant 0 : i32
    %scan3A_25 = arith.constant 7 : i32
    %scan3A_26 = arith.addi %scan3A_24, %scan3A_25 : i32
    %scan3A_27 = arith.constant 1 : i32
    %scan3A_28 = scf.for %scan3A_65 = %scan3A_24 to %scan3A_26 step %scan3A_27 iter_args(%scan3A_66 = %scan3A_23) -> (i32)  : i32 {
      %mul3A_67 = arith.constant 80 : i32
      %mul3A_68 = arith.muli %scan3A_65, %mul3A_67 : i32
      %add3A_69 = arith.addi %mul3A_22, %mul3A_68 : i32
      "tpu.region"() ({
        %run_scoped3A_71 = tpu.sem_alloc : memref<!tpu.dma_semaphore, #tpu.memory_space<semaphore_mem>>
        %dma_start3A_72 = arith.constant 0 : i32
        %dma_start3A_73 = tpu.memref_slice %arg10[%add3A_69, %dma_start3A_72] : memref<10000x128xf32, #tpu.memory_space<vmem_shared>> -> memref<80x128xf32, #tpu.memory_space<vmem_shared>>
        %dma_start3A_74 = arith.constant 0 : i32
        %dma_start3A_75 = tpu.memref_slice %arg10[%add3A_69, %dma_start3A_74] : memref<10000x128xf32, #tpu.memory_space<vmem_shared>> -> memref<80x128xf32, #tpu.memory_space<vmem_shared>>
        tpu.enqueue_dma source(%arg8 : memref<80x128xf32, #tpu.memory_space<vmem>>) target(%dma_start3A_75 : memref<80x128xf32, #tpu.memory_space<vmem_shared>>) target_semaphore(%run_scoped3A_71 : memref<!tpu.dma_semaphore, #tpu.memory_space<semaphore_mem>>)
        %dma_wait3A_76 = arith.constant 0 : i32
        %dma_wait3A_77 = tpu.memref_slice %arg10[%add3A_69, %dma_wait3A_76] : memref<10000x128xf32, #tpu.memory_space<vmem_shared>> -> memref<80x128xf32, #tpu.memory_space<vmem_shared>>
        %dma_wait3A_78 = arith.constant 0 : i32
        %dma_wait3A_79 = tpu.memref_slice %arg10[%add3A_69, %dma_wait3A_78] : memref<10000x128xf32, #tpu.memory_space<vmem_shared>> -> memref<80x128xf32, #tpu.memory_space<vmem_shared>>
        tpu.wait_dma2 semaphore(%run_scoped3A_71 : memref<!tpu.dma_semaphore, #tpu.memory_space<semaphore_mem>>) src(%arg8 : memref<80x128xf32, #tpu.memory_space<vmem>>) dst(%dma_wait3A_79 : memref<80x128xf32, #tpu.memory_space<vmem_shared>>)
        tpu.yield
      }) : () -> ()
      %scan3A_70 = arith.constant 0 : i32
      scf.yield %scan3A_70 : i32
    }
    %scan3A_29 = arith.constant 7 : i32
    %add3A_30 = arith.constant 560 : i32
    %add3A_31 = arith.addi %mul3A_22, %add3A_30 : i32
    "tpu.region"() ({
      %run_scoped3A_65 = tpu.sem_alloc : memref<!tpu.dma_semaphore, #tpu.memory_space<semaphore_mem>>
      %dma_start3A_66 = arith.constant 0 : i32
      %dma_start3A_67 = arith.constant 0 : i32
      %dma_start3A_68 = tpu.memref_slice %arg8[%dma_start3A_66, %dma_start3A_67] : memref<80x128xf32, #tpu.memory_space<vmem>> -> memref<65x128xf32, #tpu.memory_space<vmem>>
      %dma_start3A_69 = arith.constant 0 : i32
      %dma_start3A_70 = tpu.memref_slice %arg10[%add3A_31, %dma_start3A_69] : memref<10000x128xf32, #tpu.memory_space<vmem_shared>> -> memref<65x128xf32, #tpu.memory_space<vmem_shared>>
      %dma_start3A_71 = arith.constant 0 : i32
      %dma_start3A_72 = tpu.memref_slice %arg10[%add3A_31, %dma_start3A_71] : memref<10000x128xf32, #tpu.memory_space<vmem_shared>> -> memref<65x128xf32, #tpu.memory_space<vmem_shared>>
      %dma_start3A_73 = arith.constant 0 : i32
      %dma_start3A_74 = arith.constant 0 : i32
      %dma_start3A_75 = tpu.memref_slice %arg8[%dma_start3A_73, %dma_start3A_74] : memref<80x128xf32, #tpu.memory_space<vmem>> -> memref<65x128xf32, #tpu.memory_space<vmem>>
      tpu.enqueue_dma source(%dma_start3A_75 : memref<65x128xf32, #tpu.memory_space<vmem>>) target(%dma_start3A_72 : memref<65x128xf32, #tpu.memory_space<vmem_shared>>) target_semaphore(%run_scoped3A_65 : memref<!tpu.dma_semaphore, #tpu.memory_space<semaphore_mem>>)
      %dma_wait3A_76 = arith.constant 0 : i32
      %dma_wait3A_77 = arith.constant 0 : i32
      %dma_wait3A_78 = tpu.memref_slice %arg8[%dma_wait3A_76, %dma_wait3A_77] : memref<80x128xf32, #tpu.memory_space<vmem>> -> memref<65x128xf32, #tpu.memory_space<vmem>>
      %dma_wait3A_79 = arith.constant 0 : i32
      %dma_wait3A_80 = tpu.memref_slice %arg10[%add3A_31, %dma_wait3A_79] : memref<10000x128xf32, #tpu.memory_space<vmem_shared>> -> memref<65x128xf32, #tpu.memory_space<vmem_shared>>
      %dma_wait3A_81 = arith.constant 0 : i32
      %dma_wait3A_82 = tpu.memref_slice %arg10[%add3A_31, %dma_wait3A_81] : memref<10000x128xf32, #tpu.memory_space<vmem_shared>> -> memref<65x128xf32, #tpu.memory_space<vmem_shared>>
      %dma_wait3A_83 = arith.constant 0 : i32
      %dma_wait3A_84 = arith.constant 0 : i32
      %dma_wait3A_85 = tpu.memref_slice %arg8[%dma_wait3A_83, %dma_wait3A_84] : memref<80x128xf32, #tpu.memory_space<vmem>> -> memref<65x128xf32, #tpu.memory_space<vmem>>
      tpu.wait_dma2 semaphore(%run_scoped3A_65 : memref<!tpu.dma_semaphore, #tpu.memory_space<semaphore_mem>>) src(%dma_wait3A_85 : memref<65x128xf32, #tpu.memory_space<vmem>>) dst(%dma_wait3A_82 : memref<65x128xf32, #tpu.memory_space<vmem_shared>>)
      tpu.yield
    }) : () -> ()
    %dma_wait3A = arith.constant 0 : i32
    %dma_wait3A_32 = tpu.memref_slice %arg3[%add3A, %dma_wait3A] : memref<32x10000xi32, #tpu.memory_space<hbm>> -> memref<1x10000xi32, #tpu.memory_space<hbm>>
    %dma_wait3A_33 = tpu.memref_squeeze %dma_wait3A_32 : memref<1x10000xi32, #tpu.memory_space<hbm>> -> memref<10000xi32, #tpu.memory_space<hbm>>
    %dma_wait3A_34 = arith.constant 0 : i32
    %dma_wait3A_35 = tpu.memref_slice %arg3[%add3A, %dma_wait3A_34] : memref<32x10000xi32, #tpu.memory_space<hbm>> -> memref<1x10000xi32, #tpu.memory_space<hbm>>
    %dma_wait3A_36 = tpu.memref_squeeze %dma_wait3A_35 : memref<1x10000xi32, #tpu.memory_space<hbm>> -> memref<10000xi32, #tpu.memory_space<hbm>>
    tpu.wait_dma2 semaphore(%arg11 : memref<!tpu.dma_semaphore, #tpu.memory_space<semaphore_mem>>) src(%dma_wait3A_36 : memref<10000xi32, #tpu.memory_space<hbm>>) dst(%arg6 : memref<10000xi32, #tpu.memory_space<vmem>>)
    %dma_wait3A_37 = arith.constant 0 : i32
    %dma_wait3A_38 = arith.constant 0 : i32
    %dma_wait3A_39 = tpu.memref_slice %arg4[%add3A, %dma_wait3A_37, %dma_wait3A_38] : memref<32x125x80xi32, #tpu.memory_space<hbm>> -> memref<1x125x80xi32, #tpu.memory_space<hbm>>
    %dma_wait3A_40 = tpu.memref_squeeze %dma_wait3A_39 : memref<1x125x80xi32, #tpu.memory_space<hbm>> -> memref<125x80xi32, #tpu.memory_space<hbm>>
    %dma_wait3A_41 = arith.constant 0 : i32
    %dma_wait3A_42 = arith.constant 0 : i32
    %dma_wait3A_43 = tpu.memref_slice %arg4[%add3A, %dma_wait3A_41, %dma_wait3A_42] : memref<32x125x80xi32, #tpu.memory_space<hbm>> -> memref<1x125x80xi32, #tpu.memory_space<hbm>>
    %dma_wait3A_44 = tpu.memref_squeeze %dma_wait3A_43 : memref<1x125x80xi32, #tpu.memory_space<hbm>> -> memref<125x80xi32, #tpu.memory_space<hbm>>
    tpu.wait_dma2 semaphore(%arg11 : memref<!tpu.dma_semaphore, #tpu.memory_space<semaphore_mem>>) src(%dma_wait3A_44 : memref<125x80xi32, #tpu.memory_space<hbm>>) dst(%arg7 : memref<125x80xi32, #tpu.memory_space<vmem>>)
    %barrier3A = arith.constant 0 : index
    tpu.barrier barrier_id(%barrier3A)
    %dma_start3A_45 = arith.constant 0 : i32
    %dma_start3A_46 = tpu.memref_slice %arg6[%dma_start3A_45] : memref<10000xi32, #tpu.memory_space<vmem>> -> memref<80xi32, #tpu.memory_space<vmem>>
    %dma_start3A_47 = arith.constant 0 : i32
    %dma_start3A_48 = arith.constant 0 : i32
    %dma_start3A_49 = tpu.memref_slice %arg2[%dma_start3A_47, %dma_start3A_48] : memref<10000x128xf32, #tpu.memory_space<hbm>> -> memref<10000x128xf32, #tpu.memory_space<hbm>>
    tpu.enqueue_indirect_dma source(%dma_start3A_49 : memref<10000x128xf32, #tpu.memory_space<hbm>>) target(%arg8 : memref<80x128xf32, #tpu.memory_space<vmem>>) offsets(%dma_start3A_46 : memref<80xi32, #tpu.memory_space<vmem>>) semaphore(%arg12 : memref<!tpu.dma_semaphore, #tpu.memory_space<semaphore_mem>>)
    %scan3A_50 = arith.constant 0 : i32
    %scan3A_51 = arith.constant 0 : i32
    %scan3A_52 = arith.constant 62 : i32
    %scan3A_53 = arith.addi %scan3A_51, %scan3A_52 : i32
    %scan3A_54 = arith.constant 1 : i32
    %scan3A_55 = scf.for %scan3A_65 = %scan3A_51 to %scan3A_53 step %scan3A_54 iter_args(%scan3A_66 = %scan3A_50) -> (i32)  : i32 {
      %mul3A_67 = arith.constant 2 : i32
      %mul3A_68 = arith.muli %scan3A_65, %mul3A_67 : i32
      %add3A_69 = arith.constant 0 : i32
      %add3A_70 = arith.addi %mul3A_68, %add3A_69 : i32
      %mul3A_71 = arith.constant 80 : i32
      %mul3A_72 = arith.muli %add3A_70, %mul3A_71 : i32
      %dma_wait3A_73 = tpu.memref_slice %arg6[%mul3A_72] : memref<10000xi32, #tpu.memory_space<vmem>> -> memref<80xi32, #tpu.memory_space<vmem>>
      %dma_wait3A_74 = arith.constant 0 : i32
      %dma_wait3A_75 = arith.constant 0 : i32
      %dma_wait3A_76 = tpu.memref_slice %arg2[%dma_wait3A_74, %dma_wait3A_75] : memref<10000x128xf32, #tpu.memory_space<hbm>> -> memref<10000x128xf32, #tpu.memory_space<hbm>>
      tpu.wait_indirect_dma semaphore(%arg12 : memref<!tpu.dma_semaphore, #tpu.memory_space<semaphore_mem>>) src(%dma_wait3A_76 : memref<10000x128xf32, #tpu.memory_space<hbm>>) dst(%arg8 : memref<80x128xf32, #tpu.memory_space<vmem>>)
      %add3A_77 = arith.constant 1 : i32
      %add3A_78 = arith.addi %add3A_70, %add3A_77 : i32
      %lt3A_79 = arith.constant 125 : i32
      %lt3A_80 = arith.cmpi slt, %add3A_78, %lt3A_79 : i32
      %convert_element_type3A_81 = arith.extui %lt3A_80 : i1 to i32
      %cond3A_82 = arith.constant 0 : i32
      %cond3A_83 = arith.cmpi ne, %convert_element_type3A_81, %cond3A_82 : i32
      scf.if %cond3A_83 {
        %add3A_100 = arith.constant 1 : i32
        %add3A_101 = arith.addi %add3A_70, %add3A_100 : i32
        %mul3A_102 = arith.constant 80 : i32
        %mul3A_103 = arith.muli %add3A_101, %mul3A_102 : i32
        %dma_start3A_104 = tpu.memref_slice %arg6[%mul3A_103] : memref<10000xi32, #tpu.memory_space<vmem>> -> memref<80xi32, #tpu.memory_space<vmem>>
        %dma_start3A_105 = arith.constant 0 : i32
        %dma_start3A_106 = arith.constant 0 : i32
        %dma_start3A_107 = tpu.memref_slice %arg2[%dma_start3A_105, %dma_start3A_106] : memref<10000x128xf32, #tpu.memory_space<hbm>> -> memref<10000x128xf32, #tpu.memory_space<hbm>>
        tpu.enqueue_indirect_dma source(%dma_start3A_107 : memref<10000x128xf32, #tpu.memory_space<hbm>>) target(%arg9 : memref<80x128xf32, #tpu.memory_space<vmem>>) offsets(%dma_start3A_104 : memref<80xi32, #tpu.memory_space<vmem>>) semaphore(%arg13 : memref<!tpu.dma_semaphore, #tpu.memory_space<semaphore_mem>>)
      } else {
      }
      "tpu.region"() ({
        %run_scoped3A_100 = tpu.sem_alloc : memref<!tpu.dma_semaphore, #tpu.memory_space<semaphore_mem>>
        %dma_start3A_101 = arith.constant 0 : i32
        %dma_start3A_102 = tpu.memref_slice %arg7[%add3A_70, %dma_start3A_101] : memref<125x80xi32, #tpu.memory_space<vmem>> -> memref<1x80xi32, #tpu.memory_space<vmem>>
        %dma_start3A_103 = tpu.memref_squeeze %dma_start3A_102 : memref<1x80xi32, #tpu.memory_space<vmem>> -> memref<80xi32, #tpu.memory_space<vmem>>
        %dma_start3A_104 = arith.constant 0 : i32
        %dma_start3A_105 = arith.constant 0 : i32
        %dma_start3A_106 = tpu.memref_slice %arg10[%dma_start3A_104, %dma_start3A_105] : memref<10000x128xf32, #tpu.memory_space<vmem_shared>> -> memref<10000x128xf32, #tpu.memory_space<vmem_shared>>
        tpu.enqueue_indirect_dma source(%arg8 : memref<80x128xf32, #tpu.memory_space<vmem>>) target(%dma_start3A_106 : memref<10000x128xf32, #tpu.memory_space<vmem_shared>>) offsets(%dma_start3A_103 : memref<80xi32, #tpu.memory_space<vmem>>) semaphore(%run_scoped3A_100 : memref<!tpu.dma_semaphore, #tpu.memory_space<semaphore_mem>>) {add = true}
        %dma_wait3A_107 = arith.constant 0 : i32
        %dma_wait3A_108 = tpu.memref_slice %arg7[%add3A_70, %dma_wait3A_107] : memref<125x80xi32, #tpu.memory_space<vmem>> -> memref<1x80xi32, #tpu.memory_space<vmem>>
        %dma_wait3A_109 = tpu.memref_squeeze %dma_wait3A_108 : memref<1x80xi32, #tpu.memory_space<vmem>> -> memref<80xi32, #tpu.memory_space<vmem>>
        %dma_wait3A_110 = arith.constant 0 : i32
        %dma_wait3A_111 = arith.constant 0 : i32
        %dma_wait3A_112 = tpu.memref_slice %arg10[%dma_wait3A_110, %dma_wait3A_111] : memref<10000x128xf32, #tpu.memory_space<vmem_shared>> -> memref<10000x128xf32, #tpu.memory_space<vmem_shared>>
        tpu.wait_indirect_dma semaphore(%run_scoped3A_100 : memref<!tpu.dma_semaphore, #tpu.memory_space<semaphore_mem>>) src(%arg8 : memref<80x128xf32, #tpu.memory_space<vmem>>) dst(%dma_wait3A_112 : memref<10000x128xf32, #tpu.memory_space<vmem_shared>>)
        tpu.yield
      }) : () -> ()
      %add3A_84 = arith.constant 1 : i32
      %add3A_85 = arith.addi %mul3A_68, %add3A_84 : i32
      %mul3A_86 = arith.constant 80 : i32
      %mul3A_87 = arith.muli %add3A_85, %mul3A_86 : i32
      %dma_wait3A_88 = tpu.memref_slice %arg6[%mul3A_87] : memref<10000xi32, #tpu.memory_space<vmem>> -> memref<80xi32, #tpu.memory_space<vmem>>
      %dma_wait3A_89 = arith.constant 0 : i32
      %dma_wait3A_90 = arith.constant 0 : i32
      %dma_wait3A_91 = tpu.memref_slice %arg2[%dma_wait3A_89, %dma_wait3A_90] : memref<10000x128xf32, #tpu.memory_space<hbm>> -> memref<10000x128xf32, #tpu.memory_space<hbm>>
      tpu.wait_indirect_dma semaphore(%arg13 : memref<!tpu.dma_semaphore, #tpu.memory_space<semaphore_mem>>) src(%dma_wait3A_91 : memref<10000x128xf32, #tpu.memory_space<hbm>>) dst(%arg9 : memref<80x128xf32, #tpu.memory_space<vmem>>)
      %add3A_92 = arith.constant 1 : i32
      %add3A_93 = arith.addi %add3A_85, %add3A_92 : i32
      %lt3A_94 = arith.constant 125 : i32
      %lt3A_95 = arith.cmpi slt, %add3A_93, %lt3A_94 : i32
      %convert_element_type3A_96 = arith.extui %lt3A_95 : i1 to i32
      %cond3A_97 = arith.constant 0 : i32
      %cond3A_98 = arith.cmpi ne, %convert_element_type3A_96, %cond3A_97 : i32
      scf.if %cond3A_98 {
        %add3A_100 = arith.constant 1 : i32
        %add3A_101 = arith.addi %add3A_85, %add3A_100 : i32
        %mul3A_102 = arith.constant 80 : i32
        %mul3A_103 = arith.muli %add3A_101, %mul3A_102 : i32
        %dma_start3A_104 = tpu.memref_slice %arg6[%mul3A_103] : memref<10000xi32, #tpu.memory_space<vmem>> -> memref<80xi32, #tpu.memory_space<vmem>>
        %dma_start3A_105 = arith.constant 0 : i32
        %dma_start3A_106 = arith.constant 0 : i32
        %dma_start3A_107 = tpu.memref_slice %arg2[%dma_start3A_105, %dma_start3A_106] : memref<10000x128xf32, #tpu.memory_space<hbm>> -> memref<10000x128xf32, #tpu.memory_space<hbm>>
        tpu.enqueue_indirect_dma source(%dma_start3A_107 : memref<10000x128xf32, #tpu.memory_space<hbm>>) target(%arg8 : memref<80x128xf32, #tpu.memory_space<vmem>>) offsets(%dma_start3A_104 : memref<80xi32, #tpu.memory_space<vmem>>) semaphore(%arg12 : memref<!tpu.dma_semaphore, #tpu.memory_space<semaphore_mem>>)
      } else {
      }
      "tpu.region"() ({
        %run_scoped3A_100 = tpu.sem_alloc : memref<!tpu.dma_semaphore, #tpu.memory_space<semaphore_mem>>
        %dma_start3A_101 = arith.constant 0 : i32
        %dma_start3A_102 = tpu.memref_slice %arg7[%add3A_85, %dma_start3A_101] : memref<125x80xi32, #tpu.memory_space<vmem>> -> memref<1x80xi32, #tpu.memory_space<vmem>>
        %dma_start3A_103 = tpu.memref_squeeze %dma_start3A_102 : memref<1x80xi32, #tpu.memory_space<vmem>> -> memref<80xi32, #tpu.memory_space<vmem>>
        %dma_start3A_104 = arith.constant 0 : i32
        %dma_start3A_105 = arith.constant 0 : i32
        %dma_start3A_106 = tpu.memref_slice %arg10[%dma_start3A_104, %dma_start3A_105] : memref<10000x128xf32, #tpu.memory_space<vmem_shared>> -> memref<10000x128xf32, #tpu.memory_space<vmem_shared>>
        tpu.enqueue_indirect_dma source(%arg9 : memref<80x128xf32, #tpu.memory_space<vmem>>) target(%dma_start3A_106 : memref<10000x128xf32, #tpu.memory_space<vmem_shared>>) offsets(%dma_start3A_103 : memref<80xi32, #tpu.memory_space<vmem>>) semaphore(%run_scoped3A_100 : memref<!tpu.dma_semaphore, #tpu.memory_space<semaphore_mem>>) {add = true}
        %dma_wait3A_107 = arith.constant 0 : i32
        %dma_wait3A_108 = tpu.memref_slice %arg7[%add3A_85, %dma_wait3A_107] : memref<125x80xi32, #tpu.memory_space<vmem>> -> memref<1x80xi32, #tpu.memory_space<vmem>>
        %dma_wait3A_109 = tpu.memref_squeeze %dma_wait3A_108 : memref<1x80xi32, #tpu.memory_space<vmem>> -> memref<80xi32, #tpu.memory_space<vmem>>
        %dma_wait3A_110 = arith.constant 0 : i32
        %dma_wait3A_111 = arith.constant 0 : i32
        %dma_wait3A_112 = tpu.memref_slice %arg10[%dma_wait3A_110, %dma_wait3A_111] : memref<10000x128xf32, #tpu.memory_space<vmem_shared>> -> memref<10000x128xf32, #tpu.memory_space<vmem_shared>>
        tpu.wait_indirect_dma semaphore(%run_scoped3A_100 : memref<!tpu.dma_semaphore, #tpu.memory_space<semaphore_mem>>) src(%arg9 : memref<80x128xf32, #tpu.memory_space<vmem>>) dst(%dma_wait3A_112 : memref<10000x128xf32, #tpu.memory_space<vmem_shared>>)
        tpu.yield
      }) : () -> ()
      %scan3A_99 = arith.constant 0 : i32
      scf.yield %scan3A_99 : i32
    }
    %scan3A_56 = arith.constant 62 : i32
    %dma_wait3A_57 = arith.constant 9920 : i32
    %dma_wait3A_58 = tpu.memref_slice %arg6[%dma_wait3A_57] : memref<10000xi32, #tpu.memory_space<vmem>> -> memref<80xi32, #tpu.memory_space<vmem>>
    %dma_wait3A_59 = arith.constant 0 : i32
    %dma_wait3A_60 = arith.constant 0 : i32
    %dma_wait3A_61 = tpu.memref_slice %arg2[%dma_wait3A_59, %dma_wait3A_60] : memref<10000x128xf32, #tpu.memory_space<hbm>> -> memref<10000x128xf32, #tpu.memory_space<hbm>>
    tpu.wait_indirect_dma semaphore(%arg12 : memref<!tpu.dma_semaphore, #tpu.memory_space<semaphore_mem>>) src(%dma_wait3A_61 : memref<10000x128xf32, #tpu.memory_space<hbm>>) dst(%arg8 : memref<80x128xf32, #tpu.memory_space<vmem>>)
    %run_scoped3A = arith.constant 124 : i32
    "tpu.region"() ({
      %run_scoped3A_65 = tpu.sem_alloc : memref<!tpu.dma_semaphore, #tpu.memory_space<semaphore_mem>>
      %dma_start3A_66 = arith.constant 0 : i32
      %dma_start3A_67 = tpu.memref_slice %arg7[%run_scoped3A, %dma_start3A_66] : memref<125x80xi32, #tpu.memory_space<vmem>> -> memref<1x80xi32, #tpu.memory_space<vmem>>
      %dma_start3A_68 = tpu.memref_squeeze %dma_start3A_67 : memref<1x80xi32, #tpu.memory_space<vmem>> -> memref<80xi32, #tpu.memory_space<vmem>>
      %dma_start3A_69 = arith.constant 0 : i32
      %dma_start3A_70 = arith.constant 0 : i32
      %dma_start3A_71 = tpu.memref_slice %arg10[%dma_start3A_69, %dma_start3A_70] : memref<10000x128xf32, #tpu.memory_space<vmem_shared>> -> memref<10000x128xf32, #tpu.memory_space<vmem_shared>>
      tpu.enqueue_indirect_dma source(%arg8 : memref<80x128xf32, #tpu.memory_space<vmem>>) target(%dma_start3A_71 : memref<10000x128xf32, #tpu.memory_space<vmem_shared>>) offsets(%dma_start3A_68 : memref<80xi32, #tpu.memory_space<vmem>>) semaphore(%run_scoped3A_65 : memref<!tpu.dma_semaphore, #tpu.memory_space<semaphore_mem>>) {add = true}
      %dma_wait3A_72 = arith.constant 0 : i32
      %dma_wait3A_73 = tpu.memref_slice %arg7[%run_scoped3A, %dma_wait3A_72] : memref<125x80xi32, #tpu.memory_space<vmem>> -> memref<1x80xi32, #tpu.memory_space<vmem>>
      %dma_wait3A_74 = tpu.memref_squeeze %dma_wait3A_73 : memref<1x80xi32, #tpu.memory_space<vmem>> -> memref<80xi32, #tpu.memory_space<vmem>>
      %dma_wait3A_75 = arith.constant 0 : i32
      %dma_wait3A_76 = arith.constant 0 : i32
      %dma_wait3A_77 = tpu.memref_slice %arg10[%dma_wait3A_75, %dma_wait3A_76] : memref<10000x128xf32, #tpu.memory_space<vmem_shared>> -> memref<10000x128xf32, #tpu.memory_space<vmem_shared>>
      tpu.wait_indirect_dma semaphore(%run_scoped3A_65 : memref<!tpu.dma_semaphore, #tpu.memory_space<semaphore_mem>>) src(%arg8 : memref<80x128xf32, #tpu.memory_space<vmem>>) dst(%dma_wait3A_77 : memref<10000x128xf32, #tpu.memory_space<vmem_shared>>)
      tpu.yield
    }) : () -> ()
    %barrier3A_62 = arith.constant 0 : index
    tpu.barrier barrier_id(%barrier3A_62)
    %lt3A = arith.constant 10 : i32
    %lt3A_63 = arith.cmpi slt, %arg1, %lt3A : i32
    %convert_element_type3A = arith.extui %lt3A_63 : i1 to i32
    %cond3A = arith.constant 0 : i32
    %cond3A_64 = arith.cmpi ne, %convert_element_type3A, %cond3A : i32
    scf.if %cond3A_64 {
      %mul3A_65 = arith.constant 1000 : i32
      %mul3A_66 = arith.muli %arg1, %mul3A_65 : i32
      %mul3A_67 = arith.constant 1000 : i32
      %mul3A_68 = arith.muli %arg1, %mul3A_67 : i32
      "tpu.region"() ({
        %run_scoped3A_69 = tpu.sem_alloc : memref<!tpu.dma_semaphore, #tpu.memory_space<semaphore_mem>>
        %dma_start3A_70 = arith.constant 0 : i32
        %dma_start3A_71 = tpu.memref_slice %arg5[%arg0, %mul3A_68, %dma_start3A_70] : memref<2x10000x128xf32, #tpu.memory_space<hbm>> -> memref<1x1000x128xf32, #tpu.memory_space<hbm>>
        %dma_start3A_72 = tpu.memref_squeeze %dma_start3A_71 : memref<1x1000x128xf32, #tpu.memory_space<hbm>> -> memref<1000x128xf32, #tpu.memory_space<hbm>>
        %dma_start3A_73 = arith.constant 0 : i32
        %dma_start3A_74 = tpu.memref_slice %arg10[%mul3A_66, %dma_start3A_73] : memref<10000x128xf32, #tpu.memory_space<vmem_shared>> -> memref<1000x128xf32, #tpu.memory_space<vmem_shared>>
        tpu.enqueue_dma source(%dma_start3A_74 : memref<1000x128xf32, #tpu.memory_space<vmem_shared>>) target(%dma_start3A_72 : memref<1000x128xf32, #tpu.memory_space<hbm>>) target_semaphore(%run_scoped3A_69 : memref<!tpu.dma_semaphore, #tpu.memory_space<semaphore_mem>>)
        %dma_wait3A_75 = arith.constant 0 : i32
        %dma_wait3A_76 = tpu.memref_slice %arg5[%arg0, %mul3A_68, %dma_wait3A_75] : memref<2x10000x128xf32, #tpu.memory_space<hbm>> -> memref<1x1000x128xf32, #tpu.memory_space<hbm>>
        %dma_wait3A_77 = tpu.memref_squeeze %dma_wait3A_76 : memref<1x1000x128xf32, #tpu.memory_space<hbm>> -> memref<1000x128xf32, #tpu.memory_space<hbm>>
        %dma_wait3A_78 = arith.constant 0 : i32
        %dma_wait3A_79 = tpu.memref_slice %arg10[%mul3A_66, %dma_wait3A_78] : memref<10000x128xf32, #tpu.memory_space<vmem_shared>> -> memref<1000x128xf32, #tpu.memory_space<vmem_shared>>
        tpu.wait_dma2 semaphore(%run_scoped3A_69 : memref<!tpu.dma_semaphore, #tpu.memory_space<semaphore_mem>>) src(%dma_wait3A_79 : memref<1000x128xf32, #tpu.memory_space<vmem_shared>>) dst(%dma_wait3A_77 : memref<1000x128xf32, #tpu.memory_space<hbm>>)
        tpu.yield
      }) : () -> ()
    } else {
    }
    return
  }
}

#map = affine_map<(d0, d1) -> (0, 0)>
#map1 = affine_map<(d0, d1) -> (0, 0, 0)>
module attributes {stable_mosaic.version = 14 : i64} {
  func.func @sc_agg(%arg0: i32, %arg1: i32, %arg2: memref<10000x128xf32, #tpu.memory_space<hbm>>, %arg3: memref<32x10000xi32, #tpu.memory_space<hbm>>, %arg4: memref<32x125x80xi32, #tpu.memory_space<hbm>>, %arg5: memref<2x10000x128xf32, #tpu.memory_space<hbm>>, %arg6: memref<10000xi32, #tpu.memory_space<vmem>>, %arg7: memref<125x80xi32, #tpu.memory_space<vmem>>, %arg8: memref<80x128xf32, #tpu.memory_space<vmem>>, %arg9: memref<80x128xf32, #tpu.memory_space<vmem>>, %arg10: memref<10000x128xf32, #tpu.memory_space<vmem_shared>>, %arg11: memref<!tpu.dma_semaphore, #tpu.memory_space<semaphore_mem>>, %arg12: memref<!tpu.dma_semaphore, #tpu.memory_space<semaphore_mem>>, %arg13: memref<!tpu.dma_semaphore, #tpu.memory_space<semaphore_mem>>) attributes {dimension_semantics = [#tpu.dimension_semantics<core_parallel>, #tpu.dimension_semantics<subcore_parallel>], iteration_bounds = array<i64: 2, 16>, scalar_prefetch = 0 : i64, scratch_operands = 8 : i64, tpu.core_type = #tpu.core_type<sc_vector_subcore>, window_params = [{transform_indices = #map}, {transform_indices = #map}, {transform_indices = #map1}, {transform_indices = #map1}]} {
    %mul3A = arith.constant 16 : i32
    %mul3A_0 = arith.muli %arg0, %mul3A : i32
    %add3A = arith.addi %mul3A_0, %arg1 : i32
    %dma_start3A = arith.constant 0 : i32
    %dma_start3A_1 = tpu.memref_slice %arg3[%add3A, %dma_start3A] : memref<32x10000xi32, #tpu.memory_space<hbm>> -> memref<1x10000xi32, #tpu.memory_space<hbm>>
    %dma_start3A_2 = tpu.memref_squeeze %dma_start3A_1 : memref<1x10000xi32, #tpu.memory_space<hbm>> -> memref<10000xi32, #tpu.memory_space<hbm>>
    %dma_start3A_3 = arith.constant 0 : i32
    %dma_start3A_4 = tpu.memref_slice %arg3[%add3A, %dma_start3A_3] : memref<32x10000xi32, #tpu.memory_space<hbm>> -> memref<1x10000xi32, #tpu.memory_space<hbm>>
    %dma_start3A_5 = tpu.memref_squeeze %dma_start3A_4 : memref<1x10000xi32, #tpu.memory_space<hbm>> -> memref<10000xi32, #tpu.memory_space<hbm>>
    tpu.enqueue_dma source(%dma_start3A_5 : memref<10000xi32, #tpu.memory_space<hbm>>) target(%arg6 : memref<10000xi32, #tpu.memory_space<vmem>>) target_semaphore(%arg11 : memref<!tpu.dma_semaphore, #tpu.memory_space<semaphore_mem>>)
    %dma_start3A_6 = arith.constant 0 : i32
    %dma_start3A_7 = arith.constant 0 : i32
    %dma_start3A_8 = tpu.memref_slice %arg4[%add3A, %dma_start3A_6, %dma_start3A_7] : memref<32x125x80xi32, #tpu.memory_space<hbm>> -> memref<1x125x80xi32, #tpu.memory_space<hbm>>
    %dma_start3A_9 = tpu.memref_squeeze %dma_start3A_8 : memref<1x125x80xi32, #tpu.memory_space<hbm>> -> memref<125x80xi32, #tpu.memory_space<hbm>>
    %dma_start3A_10 = arith.constant 0 : i32
    %dma_start3A_11 = arith.constant 0 : i32
    %dma_start3A_12 = tpu.memref_slice %arg4[%add3A, %dma_start3A_10, %dma_start3A_11] : memref<32x125x80xi32, #tpu.memory_space<hbm>> -> memref<1x125x80xi32, #tpu.memory_space<hbm>>
    %dma_start3A_13 = tpu.memref_squeeze %dma_start3A_12 : memref<1x125x80xi32, #tpu.memory_space<hbm>> -> memref<125x80xi32, #tpu.memory_space<hbm>>
    tpu.enqueue_dma source(%dma_start3A_13 : memref<125x80xi32, #tpu.memory_space<hbm>>) target(%arg7 : memref<125x80xi32, #tpu.memory_space<vmem>>) target_semaphore(%arg11 : memref<!tpu.dma_semaphore, #tpu.memory_space<semaphore_mem>>)
    %broadcast_in_dim3A = arith.constant 0.000000e+00 : f32
    %broadcast_in_dim3A_14 = vector.broadcast %broadcast_in_dim3A : f32 to vector<16xf32>
    %scan3A = arith.constant 0 : i32
    %scan3A_15 = arith.constant 0 : i32
    %scan3A_16 = arith.constant 80 : i32
    %scan3A_17 = arith.addi %scan3A_15, %scan3A_16 : i32
    %scan3A_18 = arith.constant 1 : i32
    %scan3A_19 = scf.for %scan3A_65 = %scan3A_15 to %scan3A_17 step %scan3A_18 iter_args(%scan3A_66 = %scan3A) -> (i32)  : i32 {
      %swap3A = arith.index_cast %scan3A_65 : i32 to index
      %swap3A_67 = arith.constant 0 : index
      %swap3A_68 = tpu.vector_load %arg8[%swap3A, %swap3A_67] {strides = array<i32>} : memref<80x128xf32, #tpu.memory_space<vmem>>, vector<1x16xf32>,
      %swap3A_69 = vector.shape_cast %swap3A_68 : vector<1x16xf32> to vector<16xf32>
      %swap3A_70 = vector.shape_cast %broadcast_in_dim3A_14 : vector<16xf32> to vector<1x16xf32>
      tpu.vector_store %arg8[%swap3A, %swap3A_67], %swap3A_70 {strides = array<i32>} : memref<80x128xf32, #tpu.memory_space<vmem>>, vector<1x16xf32>,
      %swap3A_71 = arith.index_cast %scan3A_65 : i32 to index
      %swap3A_72 = arith.constant 16 : index
      %swap3A_73 = tpu.vector_load %arg8[%swap3A_71, %swap3A_72] {strides = array<i32>} : memref<80x128xf32, #tpu.memory_space<vmem>>, vector<1x16xf32>,
      %swap3A_74 = vector.shape_cast %swap3A_73 : vector<1x16xf32> to vector<16xf32>
      %swap3A_75 = vector.shape_cast %broadcast_in_dim3A_14 : vector<16xf32> to vector<1x16xf32>
      tpu.vector_store %arg8[%swap3A_71, %swap3A_72], %swap3A_75 {strides = array<i32>} : memref<80x128xf32, #tpu.memory_space<vmem>>, vector<1x16xf32>,
      %swap3A_76 = arith.index_cast %scan3A_65 : i32 to index
      %swap3A_77 = arith.constant 32 : index
      %swap3A_78 = tpu.vector_load %arg8[%swap3A_76, %swap3A_77] {strides = array<i32>} : memref<80x128xf32, #tpu.memory_space<vmem>>, vector<1x16xf32>,
      %swap3A_79 = vector.shape_cast %swap3A_78 : vector<1x16xf32> to vector<16xf32>
      %swap3A_80 = vector.shape_cast %broadcast_in_dim3A_14 : vector<16xf32> to vector<1x16xf32>
      tpu.vector_store %arg8[%swap3A_76, %swap3A_77], %swap3A_80 {strides = array<i32>} : memref<80x128xf32, #tpu.memory_space<vmem>>, vector<1x16xf32>,
      %swap3A_81 = arith.index_cast %scan3A_65 : i32 to index
      %swap3A_82 = arith.constant 48 : index
      %swap3A_83 = tpu.vector_load %arg8[%swap3A_81, %swap3A_82] {strides = array<i32>} : memref<80x128xf32, #tpu.memory_space<vmem>>, vector<1x16xf32>,
      %swap3A_84 = vector.shape_cast %swap3A_83 : vector<1x16xf32> to vector<16xf32>
      %swap3A_85 = vector.shape_cast %broadcast_in_dim3A_14 : vector<16xf32> to vector<1x16xf32>
      tpu.vector_store %arg8[%swap3A_81, %swap3A_82], %swap3A_85 {strides = array<i32>} : memref<80x128xf32, #tpu.memory_space<vmem>>, vector<1x16xf32>,
      %swap3A_86 = arith.index_cast %scan3A_65 : i32 to index
      %swap3A_87 = arith.constant 64 : index
      %swap3A_88 = tpu.vector_load %arg8[%swap3A_86, %swap3A_87] {strides = array<i32>} : memref<80x128xf32, #tpu.memory_space<vmem>>, vector<1x16xf32>,
      %swap3A_89 = vector.shape_cast %swap3A_88 : vector<1x16xf32> to vector<16xf32>
      %swap3A_90 = vector.shape_cast %broadcast_in_dim3A_14 : vector<16xf32> to vector<1x16xf32>
      tpu.vector_store %arg8[%swap3A_86, %swap3A_87], %swap3A_90 {strides = array<i32>} : memref<80x128xf32, #tpu.memory_space<vmem>>, vector<1x16xf32>,
      %swap3A_91 = arith.index_cast %scan3A_65 : i32 to index
      %swap3A_92 = arith.constant 80 : index
      %swap3A_93 = tpu.vector_load %arg8[%swap3A_91, %swap3A_92] {strides = array<i32>} : memref<80x128xf32, #tpu.memory_space<vmem>>, vector<1x16xf32>,
      %swap3A_94 = vector.shape_cast %swap3A_93 : vector<1x16xf32> to vector<16xf32>
      %swap3A_95 = vector.shape_cast %broadcast_in_dim3A_14 : vector<16xf32> to vector<1x16xf32>
      tpu.vector_store %arg8[%swap3A_91, %swap3A_92], %swap3A_95 {strides = array<i32>} : memref<80x128xf32, #tpu.memory_space<vmem>>, vector<1x16xf32>,
      %swap3A_96 = arith.index_cast %scan3A_65 : i32 to index
      %swap3A_97 = arith.constant 96 : index
      %swap3A_98 = tpu.vector_load %arg8[%swap3A_96, %swap3A_97] {strides = array<i32>} : memref<80x128xf32, #tpu.memory_space<vmem>>, vector<1x16xf32>,
      %swap3A_99 = vector.shape_cast %swap3A_98 : vector<1x16xf32> to vector<16xf32>
      %swap3A_100 = vector.shape_cast %broadcast_in_dim3A_14 : vector<16xf32> to vector<1x16xf32>
      tpu.vector_store %arg8[%swap3A_96, %swap3A_97], %swap3A_100 {strides = array<i32>} : memref<80x128xf32, #tpu.memory_space<vmem>>, vector<1x16xf32>,
      %swap3A_101 = arith.index_cast %scan3A_65 : i32 to index
      %swap3A_102 = arith.constant 112 : index
      %swap3A_103 = tpu.vector_load %arg8[%swap3A_101, %swap3A_102] {strides = array<i32>} : memref<80x128xf32, #tpu.memory_space<vmem>>, vector<1x16xf32>,
      %swap3A_104 = vector.shape_cast %swap3A_103 : vector<1x16xf32> to vector<16xf32>
      %swap3A_105 = vector.shape_cast %broadcast_in_dim3A_14 : vector<16xf32> to vector<1x16xf32>
      tpu.vector_store %arg8[%swap3A_101, %swap3A_102], %swap3A_105 {strides = array<i32>} : memref<80x128xf32, #tpu.memory_space<vmem>>, vector<1x16xf32>,
      %scan3A_106 = arith.constant 0 : i32
      scf.yield %scan3A_106 : i32
    }
    %scan3A_20 = arith.constant 80 : i32
    %mul3A_21 = arith.constant 625 : i32
    %mul3A_22 = arith.muli %arg1, %mul3A_21 : i32
    %scan3A_23 = arith.constant 0 : i32
    %scan3A_24 = arith.constant 0 : i32
    %scan3A_25 = arith.constant 7 : i32
    %scan3A_26 = arith.addi %scan3A_24, %scan3A_25 : i32
    %scan3A_27 = arith.constant 1 : i32
    %scan3A_28 = scf.for %scan3A_65 = %scan3A_24 to %scan3A_26 step %scan3A_27 iter_args(%scan3A_66 = %scan3A_23) -> (i32)  : i32 {
      %mul3A_67 = arith.constant 80 : i32
      %mul3A_68 = arith.muli %scan3A_65, %mul3A_67 : i32
      %add3A_69 = arith.addi %mul3A_22, %mul3A_68 : i32
      "tpu.region"() ({
        %run_scoped3A_71 = tpu.sem_alloc : memref<!tpu.dma_semaphore, #tpu.memory_space<semaphore_mem>>
        %dma_start3A_72 = arith.constant 0 : i32
        %dma_start3A_73 = tpu.memref_slice %arg10[%add3A_69, %dma_start3A_72] : memref<10000x128xf32, #tpu.memory_space<vmem_shared>> -> memref<80x128xf32, #tpu.memory_space<vmem_shared>>
        %dma_start3A_74 = arith.constant 0 : i32
        %dma_start3A_75 = tpu.memref_slice %arg10[%add3A_69, %dma_start3A_74] : memref<10000x128xf32, #tpu.memory_space<vmem_shared>> -> memref<80x128xf32, #tpu.memory_space<vmem_shared>>
        tpu.enqueue_dma source(%arg8 : memref<80x128xf32, #tpu.memory_space<vmem>>) target(%dma_start3A_75 : memref<80x128xf32, #tpu.memory_space<vmem_shared>>) target_semaphore(%run_scoped3A_71 : memref<!tpu.dma_semaphore, #tpu.memory_space<semaphore_mem>>)
        %dma_wait3A_76 = arith.constant 0 : i32
        %dma_wait3A_77 = tpu.memref_slice %arg10[%add3A_69, %dma_wait3A_76] : memref<10000x128xf32, #tpu.memory_space<vmem_shared>> -> memref<80x128xf32, #tpu.memory_space<vmem_shared>>
        %dma_wait3A_78 = arith.constant 0 : i32
        %dma_wait3A_79 = tpu.memref_slice %arg10[%add3A_69, %dma_wait3A_78] : memref<10000x128xf32, #tpu.memory_space<vmem_shared>> -> memref<80x128xf32, #tpu.memory_space<vmem_shared>>
        tpu.wait_dma2 semaphore(%run_scoped3A_71 : memref<!tpu.dma_semaphore, #tpu.memory_space<semaphore_mem>>) src(%arg8 : memref<80x128xf32, #tpu.memory_space<vmem>>) dst(%dma_wait3A_79 : memref<80x128xf32, #tpu.memory_space<vmem_shared>>)
        tpu.yield
      }) : () -> ()
      %scan3A_70 = arith.constant 0 : i32
      scf.yield %scan3A_70 : i32
    }
    %scan3A_29 = arith.constant 7 : i32
    %add3A_30 = arith.constant 560 : i32
    %add3A_31 = arith.addi %mul3A_22, %add3A_30 : i32
    "tpu.region"() ({
      %run_scoped3A_65 = tpu.sem_alloc : memref<!tpu.dma_semaphore, #tpu.memory_space<semaphore_mem>>
      %dma_start3A_66 = arith.constant 0 : i32
      %dma_start3A_67 = arith.constant 0 : i32
      %dma_start3A_68 = tpu.memref_slice %arg8[%dma_start3A_66, %dma_start3A_67] : memref<80x128xf32, #tpu.memory_space<vmem>> -> memref<65x128xf32, #tpu.memory_space<vmem>>
      %dma_start3A_69 = arith.constant 0 : i32
      %dma_start3A_70 = tpu.memref_slice %arg10[%add3A_31, %dma_start3A_69] : memref<10000x128xf32, #tpu.memory_space<vmem_shared>> -> memref<65x128xf32, #tpu.memory_space<vmem_shared>>
      %dma_start3A_71 = arith.constant 0 : i32
      %dma_start3A_72 = tpu.memref_slice %arg10[%add3A_31, %dma_start3A_71] : memref<10000x128xf32, #tpu.memory_space<vmem_shared>> -> memref<65x128xf32, #tpu.memory_space<vmem_shared>>
      %dma_start3A_73 = arith.constant 0 : i32
      %dma_start3A_74 = arith.constant 0 : i32
      %dma_start3A_75 = tpu.memref_slice %arg8[%dma_start3A_73, %dma_start3A_74] : memref<80x128xf32, #tpu.memory_space<vmem>> -> memref<65x128xf32, #tpu.memory_space<vmem>>
      tpu.enqueue_dma source(%dma_start3A_75 : memref<65x128xf32, #tpu.memory_space<vmem>>) target(%dma_start3A_72 : memref<65x128xf32, #tpu.memory_space<vmem_shared>>) target_semaphore(%run_scoped3A_65 : memref<!tpu.dma_semaphore, #tpu.memory_space<semaphore_mem>>)
      %dma_wait3A_76 = arith.constant 0 : i32
      %dma_wait3A_77 = arith.constant 0 : i32
      %dma_wait3A_78 = tpu.memref_slice %arg8[%dma_wait3A_76, %dma_wait3A_77] : memref<80x128xf32, #tpu.memory_space<vmem>> -> memref<65x128xf32, #tpu.memory_space<vmem>>
      %dma_wait3A_79 = arith.constant 0 : i32
      %dma_wait3A_80 = tpu.memref_slice %arg10[%add3A_31, %dma_wait3A_79] : memref<10000x128xf32, #tpu.memory_space<vmem_shared>> -> memref<65x128xf32, #tpu.memory_space<vmem_shared>>
      %dma_wait3A_81 = arith.constant 0 : i32
      %dma_wait3A_82 = tpu.memref_slice %arg10[%add3A_31, %dma_wait3A_81] : memref<10000x128xf32, #tpu.memory_space<vmem_shared>> -> memref<65x128xf32, #tpu.memory_space<vmem_shared>>
      %dma_wait3A_83 = arith.constant 0 : i32
      %dma_wait3A_84 = arith.constant 0 : i32
      %dma_wait3A_85 = tpu.memref_slice %arg8[%dma_wait3A_83, %dma_wait3A_84] : memref<80x128xf32, #tpu.memory_space<vmem>> -> memref<65x128xf32, #tpu.memory_space<vmem>>
      tpu.wait_dma2 semaphore(%run_scoped3A_65 : memref<!tpu.dma_semaphore, #tpu.memory_space<semaphore_mem>>) src(%dma_wait3A_85 : memref<65x128xf32, #tpu.memory_space<vmem>>) dst(%dma_wait3A_82 : memref<65x128xf32, #tpu.memory_space<vmem_shared>>)
      tpu.yield
    }) : () -> ()
    %dma_wait3A = arith.constant 0 : i32
    %dma_wait3A_32 = tpu.memref_slice %arg3[%add3A, %dma_wait3A] : memref<32x10000xi32, #tpu.memory_space<hbm>> -> memref<1x10000xi32, #tpu.memory_space<hbm>>
    %dma_wait3A_33 = tpu.memref_squeeze %dma_wait3A_32 : memref<1x10000xi32, #tpu.memory_space<hbm>> -> memref<10000xi32, #tpu.memory_space<hbm>>
    %dma_wait3A_34 = arith.constant 0 : i32
    %dma_wait3A_35 = tpu.memref_slice %arg3[%add3A, %dma_wait3A_34] : memref<32x10000xi32, #tpu.memory_space<hbm>> -> memref<1x10000xi32, #tpu.memory_space<hbm>>
    %dma_wait3A_36 = tpu.memref_squeeze %dma_wait3A_35 : memref<1x10000xi32, #tpu.memory_space<hbm>> -> memref<10000xi32, #tpu.memory_space<hbm>>
    tpu.wait_dma2 semaphore(%arg11 : memref<!tpu.dma_semaphore, #tpu.memory_space<semaphore_mem>>) src(%dma_wait3A_36 : memref<10000xi32, #tpu.memory_space<hbm>>) dst(%arg6 : memref<10000xi32, #tpu.memory_space<vmem>>)
    %dma_wait3A_37 = arith.constant 0 : i32
    %dma_wait3A_38 = arith.constant 0 : i32
    %dma_wait3A_39 = tpu.memref_slice %arg4[%add3A, %dma_wait3A_37, %dma_wait3A_38] : memref<32x125x80xi32, #tpu.memory_space<hbm>> -> memref<1x125x80xi32, #tpu.memory_space<hbm>>
    %dma_wait3A_40 = tpu.memref_squeeze %dma_wait3A_39 : memref<1x125x80xi32, #tpu.memory_space<hbm>> -> memref<125x80xi32, #tpu.memory_space<hbm>>
    %dma_wait3A_41 = arith.constant 0 : i32
    %dma_wait3A_42 = arith.constant 0 : i32
    %dma_wait3A_43 = tpu.memref_slice %arg4[%add3A, %dma_wait3A_41, %dma_wait3A_42] : memref<32x125x80xi32, #tpu.memory_space<hbm>> -> memref<1x125x80xi32, #tpu.memory_space<hbm>>
    %dma_wait3A_44 = tpu.memref_squeeze %dma_wait3A_43 : memref<1x125x80xi32, #tpu.memory_space<hbm>> -> memref<125x80xi32, #tpu.memory_space<hbm>>
    tpu.wait_dma2 semaphore(%arg11 : memref<!tpu.dma_semaphore, #tpu.memory_space<semaphore_mem>>) src(%dma_wait3A_44 : memref<125x80xi32, #tpu.memory_space<hbm>>) dst(%arg7 : memref<125x80xi32, #tpu.memory_space<vmem>>)
    %barrier3A = arith.constant 0 : index
    tpu.barrier barrier_id(%barrier3A)
    %dma_start3A_45 = arith.constant 0 : i32
    %dma_start3A_46 = tpu.memref_slice %arg6[%dma_start3A_45] : memref<10000xi32, #tpu.memory_space<vmem>> -> memref<80xi32, #tpu.memory_space<vmem>>
    %dma_start3A_47 = arith.constant 0 : i32
    %dma_start3A_48 = arith.constant 0 : i32
    %dma_start3A_49 = tpu.memref_slice %arg2[%dma_start3A_47, %dma_start3A_48] : memref<10000x128xf32, #tpu.memory_space<hbm>> -> memref<10000x128xf32, #tpu.memory_space<hbm>>
    tpu.enqueue_indirect_dma source(%dma_start3A_49 : memref<10000x128xf32, #tpu.memory_space<hbm>>) target(%arg8 : memref<80x128xf32, #tpu.memory_space<vmem>>) offsets(%dma_start3A_46 : memref<80xi32, #tpu.memory_space<vmem>>) semaphore(%arg12 : memref<!tpu.dma_semaphore, #tpu.memory_space<semaphore_mem>>)
    %scan3A_50 = arith.constant 0 : i32
    %scan3A_51 = arith.constant 0 : i32
    %scan3A_52 = arith.constant 62 : i32
    %scan3A_53 = arith.addi %scan3A_51, %scan3A_52 : i32
    %scan3A_54 = arith.constant 1 : i32
    %scan3A_55 = scf.for %scan3A_65 = %scan3A_51 to %scan3A_53 step %scan3A_54 iter_args(%scan3A_66 = %scan3A_50) -> (i32)  : i32 {
      %mul3A_67 = arith.constant 2 : i32
      %mul3A_68 = arith.muli %scan3A_65, %mul3A_67 : i32
      %add3A_69 = arith.constant 0 : i32
      %add3A_70 = arith.addi %mul3A_68, %add3A_69 : i32
      %mul3A_71 = arith.constant 80 : i32
      %mul3A_72 = arith.muli %add3A_70, %mul3A_71 : i32
      %dma_wait3A_73 = tpu.memref_slice %arg6[%mul3A_72] : memref<10000xi32, #tpu.memory_space<vmem>> -> memref<80xi32, #tpu.memory_space<vmem>>
      %dma_wait3A_74 = arith.constant 0 : i32
      %dma_wait3A_75 = arith.constant 0 : i32
      %dma_wait3A_76 = tpu.memref_slice %arg2[%dma_wait3A_74, %dma_wait3A_75] : memref<10000x128xf32, #tpu.memory_space<hbm>> -> memref<10000x128xf32, #tpu.memory_space<hbm>>
      tpu.wait_indirect_dma semaphore(%arg12 : memref<!tpu.dma_semaphore, #tpu.memory_space<semaphore_mem>>) src(%dma_wait3A_76 : memref<10000x128xf32, #tpu.memory_space<hbm>>) dst(%arg8 : memref<80x128xf32, #tpu.memory_space<vmem>>)
      %add3A_77 = arith.constant 1 : i32
      %add3A_78 = arith.addi %add3A_70, %add3A_77 : i32
      %lt3A_79 = arith.constant 125 : i32
      %lt3A_80 = arith.cmpi slt, %add3A_78, %lt3A_79 : i32
      %convert_element_type3A_81 = arith.extui %lt3A_80 : i1 to i32
      %cond3A_82 = arith.constant 0 : i32
      %cond3A_83 = arith.cmpi ne, %convert_element_type3A_81, %cond3A_82 : i32
      scf.if %cond3A_83 {
        %add3A_100 = arith.constant 1 : i32
        %add3A_101 = arith.addi %add3A_70, %add3A_100 : i32
        %mul3A_102 = arith.constant 80 : i32
        %mul3A_103 = arith.muli %add3A_101, %mul3A_102 : i32
        %dma_start3A_104 = tpu.memref_slice %arg6[%mul3A_103] : memref<10000xi32, #tpu.memory_space<vmem>> -> memref<80xi32, #tpu.memory_space<vmem>>
        %dma_start3A_105 = arith.constant 0 : i32
        %dma_start3A_106 = arith.constant 0 : i32
        %dma_start3A_107 = tpu.memref_slice %arg2[%dma_start3A_105, %dma_start3A_106] : memref<10000x128xf32, #tpu.memory_space<hbm>> -> memref<10000x128xf32, #tpu.memory_space<hbm>>
        tpu.enqueue_indirect_dma source(%dma_start3A_107 : memref<10000x128xf32, #tpu.memory_space<hbm>>) target(%arg9 : memref<80x128xf32, #tpu.memory_space<vmem>>) offsets(%dma_start3A_104 : memref<80xi32, #tpu.memory_space<vmem>>) semaphore(%arg13 : memref<!tpu.dma_semaphore, #tpu.memory_space<semaphore_mem>>)
      } else {
      }
      "tpu.region"() ({
        %run_scoped3A_100 = tpu.sem_alloc : memref<!tpu.dma_semaphore, #tpu.memory_space<semaphore_mem>>
        %dma_start3A_101 = arith.constant 0 : i32
        %dma_start3A_102 = tpu.memref_slice %arg7[%add3A_70, %dma_start3A_101] : memref<125x80xi32, #tpu.memory_space<vmem>> -> memref<1x80xi32, #tpu.memory_space<vmem>>
        %dma_start3A_103 = tpu.memref_squeeze %dma_start3A_102 : memref<1x80xi32, #tpu.memory_space<vmem>> -> memref<80xi32, #tpu.memory_space<vmem>>
        %dma_start3A_104 = arith.constant 0 : i32
        %dma_start3A_105 = arith.constant 0 : i32
        %dma_start3A_106 = tpu.memref_slice %arg10[%dma_start3A_104, %dma_start3A_105] : memref<10000x128xf32, #tpu.memory_space<vmem_shared>> -> memref<10000x128xf32, #tpu.memory_space<vmem_shared>>
        tpu.enqueue_indirect_dma source(%arg8 : memref<80x128xf32, #tpu.memory_space<vmem>>) target(%dma_start3A_106 : memref<10000x128xf32, #tpu.memory_space<vmem_shared>>) offsets(%dma_start3A_103 : memref<80xi32, #tpu.memory_space<vmem>>) semaphore(%run_scoped3A_100 : memref<!tpu.dma_semaphore, #tpu.memory_space<semaphore_mem>>) {add = true}
        %dma_wait3A_107 = arith.constant 0 : i32
        %dma_wait3A_108 = tpu.memref_slice %arg7[%add3A_70, %dma_wait3A_107] : memref<125x80xi32, #tpu.memory_space<vmem>> -> memref<1x80xi32, #tpu.memory_space<vmem>>
        %dma_wait3A_109 = tpu.memref_squeeze %dma_wait3A_108 : memref<1x80xi32, #tpu.memory_space<vmem>> -> memref<80xi32, #tpu.memory_space<vmem>>
        %dma_wait3A_110 = arith.constant 0 : i32
        %dma_wait3A_111 = arith.constant 0 : i32
        %dma_wait3A_112 = tpu.memref_slice %arg10[%dma_wait3A_110, %dma_wait3A_111] : memref<10000x128xf32, #tpu.memory_space<vmem_shared>> -> memref<10000x128xf32, #tpu.memory_space<vmem_shared>>
        tpu.wait_indirect_dma semaphore(%run_scoped3A_100 : memref<!tpu.dma_semaphore, #tpu.memory_space<semaphore_mem>>) src(%arg8 : memref<80x128xf32, #tpu.memory_space<vmem>>) dst(%dma_wait3A_112 : memref<10000x128xf32, #tpu.memory_space<vmem_shared>>)
        tpu.yield
      }) : () -> ()
      %add3A_84 = arith.constant 1 : i32
      %add3A_85 = arith.addi %mul3A_68, %add3A_84 : i32
      %mul3A_86 = arith.constant 80 : i32
      %mul3A_87 = arith.muli %add3A_85, %mul3A_86 : i32
      %dma_wait3A_88 = tpu.memref_slice %arg6[%mul3A_87] : memref<10000xi32, #tpu.memory_space<vmem>> -> memref<80xi32, #tpu.memory_space<vmem>>
      %dma_wait3A_89 = arith.constant 0 : i32
      %dma_wait3A_90 = arith.constant 0 : i32
      %dma_wait3A_91 = tpu.memref_slice %arg2[%dma_wait3A_89, %dma_wait3A_90] : memref<10000x128xf32, #tpu.memory_space<hbm>> -> memref<10000x128xf32, #tpu.memory_space<hbm>>
      tpu.wait_indirect_dma semaphore(%arg13 : memref<!tpu.dma_semaphore, #tpu.memory_space<semaphore_mem>>) src(%dma_wait3A_91 : memref<10000x128xf32, #tpu.memory_space<hbm>>) dst(%arg9 : memref<80x128xf32, #tpu.memory_space<vmem>>)
      %add3A_92 = arith.constant 1 : i32
      %add3A_93 = arith.addi %add3A_85, %add3A_92 : i32
      %lt3A_94 = arith.constant 125 : i32
      %lt3A_95 = arith.cmpi slt, %add3A_93, %lt3A_94 : i32
      %convert_element_type3A_96 = arith.extui %lt3A_95 : i1 to i32
      %cond3A_97 = arith.constant 0 : i32
      %cond3A_98 = arith.cmpi ne, %convert_element_type3A_96, %cond3A_97 : i32
      scf.if %cond3A_98 {
        %add3A_100 = arith.constant 1 : i32
        %add3A_101 = arith.addi %add3A_85, %add3A_100 : i32
        %mul3A_102 = arith.constant 80 : i32
        %mul3A_103 = arith.muli %add3A_101, %mul3A_102 : i32
        %dma_start3A_104 = tpu.memref_slice %arg6[%mul3A_103] : memref<10000xi32, #tpu.memory_space<vmem>> -> memref<80xi32, #tpu.memory_space<vmem>>
        %dma_start3A_105 = arith.constant 0 : i32
        %dma_start3A_106 = arith.constant 0 : i32
        %dma_start3A_107 = tpu.memref_slice %arg2[%dma_start3A_105, %dma_start3A_106] : memref<10000x128xf32, #tpu.memory_space<hbm>> -> memref<10000x128xf32, #tpu.memory_space<hbm>>
        tpu.enqueue_indirect_dma source(%dma_start3A_107 : memref<10000x128xf32, #tpu.memory_space<hbm>>) target(%arg8 : memref<80x128xf32, #tpu.memory_space<vmem>>) offsets(%dma_start3A_104 : memref<80xi32, #tpu.memory_space<vmem>>) semaphore(%arg12 : memref<!tpu.dma_semaphore, #tpu.memory_space<semaphore_mem>>)
      } else {
      }
      "tpu.region"() ({
        %run_scoped3A_100 = tpu.sem_alloc : memref<!tpu.dma_semaphore, #tpu.memory_space<semaphore_mem>>
        %dma_start3A_101 = arith.constant 0 : i32
        %dma_start3A_102 = tpu.memref_slice %arg7[%add3A_85, %dma_start3A_101] : memref<125x80xi32, #tpu.memory_space<vmem>> -> memref<1x80xi32, #tpu.memory_space<vmem>>
        %dma_start3A_103 = tpu.memref_squeeze %dma_start3A_102 : memref<1x80xi32, #tpu.memory_space<vmem>> -> memref<80xi32, #tpu.memory_space<vmem>>
        %dma_start3A_104 = arith.constant 0 : i32
        %dma_start3A_105 = arith.constant 0 : i32
        %dma_start3A_106 = tpu.memref_slice %arg10[%dma_start3A_104, %dma_start3A_105] : memref<10000x128xf32, #tpu.memory_space<vmem_shared>> -> memref<10000x128xf32, #tpu.memory_space<vmem_shared>>
        tpu.enqueue_indirect_dma source(%arg9 : memref<80x128xf32, #tpu.memory_space<vmem>>) target(%dma_start3A_106 : memref<10000x128xf32, #tpu.memory_space<vmem_shared>>) offsets(%dma_start3A_103 : memref<80xi32, #tpu.memory_space<vmem>>) semaphore(%run_scoped3A_100 : memref<!tpu.dma_semaphore, #tpu.memory_space<semaphore_mem>>) {add = true}
        %dma_wait3A_107 = arith.constant 0 : i32
        %dma_wait3A_108 = tpu.memref_slice %arg7[%add3A_85, %dma_wait3A_107] : memref<125x80xi32, #tpu.memory_space<vmem>> -> memref<1x80xi32, #tpu.memory_space<vmem>>
        %dma_wait3A_109 = tpu.memref_squeeze %dma_wait3A_108 : memref<1x80xi32, #tpu.memory_space<vmem>> -> memref<80xi32, #tpu.memory_space<vmem>>
        %dma_wait3A_110 = arith.constant 0 : i32
        %dma_wait3A_111 = arith.constant 0 : i32
        %dma_wait3A_112 = tpu.memref_slice %arg10[%dma_wait3A_110, %dma_wait3A_111] : memref<10000x128xf32, #tpu.memory_space<vmem_shared>> -> memref<10000x128xf32, #tpu.memory_space<vmem_shared>>
        tpu.wait_indirect_dma semaphore(%run_scoped3A_100 : memref<!tpu.dma_semaphore, #tpu.memory_space<semaphore_mem>>) src(%arg9 : memref<80x128xf32, #tpu.memory_space<vmem>>) dst(%dma_wait3A_112 : memref<10000x128xf32, #tpu.memory_space<vmem_shared>>)
        tpu.yield
      }) : () -> ()
      %scan3A_99 = arith.constant 0 : i32
      scf.yield %scan3A_99 : i32
    }
    %scan3A_56 = arith.constant 62 : i32
    %dma_wait3A_57 = arith.constant 9920 : i32
    %dma_wait3A_58 = tpu.memref_slice %arg6[%dma_wait3A_57] : memref<10000xi32, #tpu.memory_space<vmem>> -> memref<80xi32, #tpu.memory_space<vmem>>
    %dma_wait3A_59 = arith.constant 0 : i32
    %dma_wait3A_60 = arith.constant 0 : i32
    %dma_wait3A_61 = tpu.memref_slice %arg2[%dma_wait3A_59, %dma_wait3A_60] : memref<10000x128xf32, #tpu.memory_space<hbm>> -> memref<10000x128xf32, #tpu.memory_space<hbm>>
    tpu.wait_indirect_dma semaphore(%arg12 : memref<!tpu.dma_semaphore, #tpu.memory_space<semaphore_mem>>) src(%dma_wait3A_61 : memref<10000x128xf32, #tpu.memory_space<hbm>>) dst(%arg8 : memref<80x128xf32, #tpu.memory_space<vmem>>)
    %run_scoped3A = arith.constant 124 : i32
    "tpu.region"() ({
      %run_scoped3A_65 = tpu.sem_alloc : memref<!tpu.dma_semaphore, #tpu.memory_space<semaphore_mem>>
      %dma_start3A_66 = arith.constant 0 : i32
      %dma_start3A_67 = tpu.memref_slice %arg7[%run_scoped3A, %dma_start3A_66] : memref<125x80xi32, #tpu.memory_space<vmem>> -> memref<1x80xi32, #tpu.memory_space<vmem>>
      %dma_start3A_68 = tpu.memref_squeeze %dma_start3A_67 : memref<1x80xi32, #tpu.memory_space<vmem>> -> memref<80xi32, #tpu.memory_space<vmem>>
      %dma_start3A_69 = arith.constant 0 : i32
      %dma_start3A_70 = arith.constant 0 : i32
      %dma_start3A_71 = tpu.memref_slice %arg10[%dma_start3A_69, %dma_start3A_70] : memref<10000x128xf32, #tpu.memory_space<vmem_shared>> -> memref<10000x128xf32, #tpu.memory_space<vmem_shared>>
      tpu.enqueue_indirect_dma source(%arg8 : memref<80x128xf32, #tpu.memory_space<vmem>>) target(%dma_start3A_71 : memref<10000x128xf32, #tpu.memory_space<vmem_shared>>) offsets(%dma_start3A_68 : memref<80xi32, #tpu.memory_space<vmem>>) semaphore(%run_scoped3A_65 : memref<!tpu.dma_semaphore, #tpu.memory_space<semaphore_mem>>) {add = true}
      %dma_wait3A_72 = arith.constant 0 : i32
      %dma_wait3A_73 = tpu.memref_slice %arg7[%run_scoped3A, %dma_wait3A_72] : memref<125x80xi32, #tpu.memory_space<vmem>> -> memref<1x80xi32, #tpu.memory_space<vmem>>
      %dma_wait3A_74 = tpu.memref_squeeze %dma_wait3A_73 : memref<1x80xi32, #tpu.memory_space<vmem>> -> memref<80xi32, #tpu.memory_space<vmem>>
      %dma_wait3A_75 = arith.constant 0 : i32
      %dma_wait3A_76 = arith.constant 0 : i32
      %dma_wait3A_77 = tpu.memref_slice %arg10[%dma_wait3A_75, %dma_wait3A_76] : memref<10000x128xf32, #tpu.memory_space<vmem_shared>> -> memref<10000x128xf32, #tpu.memory_space<vmem_shared>>
      tpu.wait_indirect_dma semaphore(%run_scoped3A_65 : memref<!tpu.dma_semaphore, #tpu.memory_space<semaphore_mem>>) src(%arg8 : memref<80x128xf32, #tpu.memory_space<vmem>>) dst(%dma_wait3A_77 : memref<10000x128xf32, #tpu.memory_space<vmem_shared>>)
      tpu.yield
    }) : () -> ()
    %barrier3A_62 = arith.constant 0 : index
    tpu.barrier barrier_id(%barrier3A_62)
    %lt3A = arith.constant 10 : i32
    %lt3A_63 = arith.cmpi slt, %arg1, %lt3A : i32
    %convert_element_type3A = arith.extui %lt3A_63 : i1 to i32
    %cond3A = arith.constant 0 : i32
    %cond3A_64 = arith.cmpi ne, %convert_element_type3A, %cond3A : i32
    scf.if %cond3A_64 {
      %mul3A_65 = arith.constant 1000 : i32
      %mul3A_66 = arith.muli %arg1, %mul3A_65 : i32
      %mul3A_67 = arith.constant 1000 : i32
      %mul3A_68 = arith.muli %arg1, %mul3A_67 : i32
      "tpu.region"() ({
        %run_scoped3A_69 = tpu.sem_alloc : memref<!tpu.dma_semaphore, #tpu.memory_space<semaphore_mem>>
        %dma_start3A_70 = arith.constant 0 : i32
        %dma_start3A_71 = tpu.memref_slice %arg5[%arg0, %mul3A_68, %dma_start3A_70] : memref<2x10000x128xf32, #tpu.memory_space<hbm>> -> memref<1x1000x128xf32, #tpu.memory_space<hbm>>
        %dma_start3A_72 = tpu.memref_squeeze %dma_start3A_71 : memref<1x1000x128xf32, #tpu.memory_space<hbm>> -> memref<1000x128xf32, #tpu.memory_space<hbm>>
        %dma_start3A_73 = arith.constant 0 : i32
        %dma_start3A_74 = tpu.memref_slice %arg10[%mul3A_66, %dma_start3A_73] : memref<10000x128xf32, #tpu.memory_space<vmem_shared>> -> memref<1000x128xf32, #tpu.memory_space<vmem_shared>>
        tpu.enqueue_dma source(%dma_start3A_74 : memref<1000x128xf32, #tpu.memory_space<vmem_shared>>) target(%dma_start3A_72 : memref<1000x128xf32, #tpu.memory_space<hbm>>) target_semaphore(%run_scoped3A_69 : memref<!tpu.dma_semaphore, #tpu.memory_space<semaphore_mem>>)
        %dma_wait3A_75 = arith.constant 0 : i32
        %dma_wait3A_76 = tpu.memref_slice %arg5[%arg0, %mul3A_68, %dma_wait3A_75] : memref<2x10000x128xf32, #tpu.memory_space<hbm>> -> memref<1x1000x128xf32, #tpu.memory_space<hbm>>
        %dma_wait3A_77 = tpu.memref_squeeze %dma_wait3A_76 : memref<1x1000x128xf32, #tpu.memory_space<hbm>> -> memref<1000x128xf32, #tpu.memory_space<hbm>>
        %dma_wait3A_78 = arith.constant 0 : i32
        %dma_wait3A_79 = tpu.memref_slice %arg10[%mul3A_66, %dma_wait3A_78] : memref<10000x128xf32, #tpu.memory_space<vmem_shared>> -> memref<1000x128xf32, #tpu.memory_space<vmem_shared>>
        tpu.wait_dma2 semaphore(%run_scoped3A_69 : memref<!tpu.dma_semaphore, #tpu.memory_space<semaphore_mem>>) src(%dma_wait3A_79 : memref<1000x128xf32, #tpu.memory_space<vmem_shared>>) dst(%dma_wait3A_77 : memref<1000x128xf32, #tpu.memory_space<hbm>>)
        tpu.yield
      }) : () -> ()
    } else {
    }
    return
  }
}

#map = affine_map<(d0, d1) -> (0, 0)>
#map1 = affine_map<(d0, d1) -> (0, 0, 0)>
module attributes {stable_mosaic.version = 14 : i64} {
  func.func @sc_agg(%arg0: i32, %arg1: i32, %arg2: memref<10000x128xf32, #tpu.memory_space<hbm>>, %arg3: memref<32x10000xi32, #tpu.memory_space<hbm>>, %arg4: memref<32x125x80xi32, #tpu.memory_space<hbm>>, %arg5: memref<2x10000x128xf32, #tpu.memory_space<hbm>>, %arg6: memref<10000xi32, #tpu.memory_space<vmem>>, %arg7: memref<125x80xi32, #tpu.memory_space<vmem>>, %arg8: memref<80x128xf32, #tpu.memory_space<vmem>>, %arg9: memref<80x128xf32, #tpu.memory_space<vmem>>, %arg10: memref<10000x128xf32, #tpu.memory_space<vmem_shared>>, %arg11: memref<!tpu.dma_semaphore, #tpu.memory_space<semaphore_mem>>, %arg12: memref<!tpu.dma_semaphore, #tpu.memory_space<semaphore_mem>>, %arg13: memref<!tpu.dma_semaphore, #tpu.memory_space<semaphore_mem>>) attributes {dimension_semantics = [#tpu.dimension_semantics<core_parallel>, #tpu.dimension_semantics<subcore_parallel>], iteration_bounds = array<i64: 2, 16>, scalar_prefetch = 0 : i64, scratch_operands = 8 : i64, tpu.core_type = #tpu.core_type<sc_vector_subcore>, window_params = [{transform_indices = #map}, {transform_indices = #map}, {transform_indices = #map1}, {transform_indices = #map1}]} {
    %mul3A = arith.constant 16 : i32
    %mul3A_0 = arith.muli %arg0, %mul3A : i32
    %add3A = arith.addi %mul3A_0, %arg1 : i32
    %dma_start3A = arith.constant 0 : i32
    %dma_start3A_1 = tpu.memref_slice %arg3[%add3A, %dma_start3A] : memref<32x10000xi32, #tpu.memory_space<hbm>> -> memref<1x10000xi32, #tpu.memory_space<hbm>>
    %dma_start3A_2 = tpu.memref_squeeze %dma_start3A_1 : memref<1x10000xi32, #tpu.memory_space<hbm>> -> memref<10000xi32, #tpu.memory_space<hbm>>
    %dma_start3A_3 = arith.constant 0 : i32
    %dma_start3A_4 = tpu.memref_slice %arg3[%add3A, %dma_start3A_3] : memref<32x10000xi32, #tpu.memory_space<hbm>> -> memref<1x10000xi32, #tpu.memory_space<hbm>>
    %dma_start3A_5 = tpu.memref_squeeze %dma_start3A_4 : memref<1x10000xi32, #tpu.memory_space<hbm>> -> memref<10000xi32, #tpu.memory_space<hbm>>
    tpu.enqueue_dma source(%dma_start3A_5 : memref<10000xi32, #tpu.memory_space<hbm>>) target(%arg6 : memref<10000xi32, #tpu.memory_space<vmem>>) target_semaphore(%arg11 : memref<!tpu.dma_semaphore, #tpu.memory_space<semaphore_mem>>)
    %dma_start3A_6 = arith.constant 0 : i32
    %dma_start3A_7 = arith.constant 0 : i32
    %dma_start3A_8 = tpu.memref_slice %arg4[%add3A, %dma_start3A_6, %dma_start3A_7] : memref<32x125x80xi32, #tpu.memory_space<hbm>> -> memref<1x125x80xi32, #tpu.memory_space<hbm>>
    %dma_start3A_9 = tpu.memref_squeeze %dma_start3A_8 : memref<1x125x80xi32, #tpu.memory_space<hbm>> -> memref<125x80xi32, #tpu.memory_space<hbm>>
    %dma_start3A_10 = arith.constant 0 : i32
    %dma_start3A_11 = arith.constant 0 : i32
    %dma_start3A_12 = tpu.memref_slice %arg4[%add3A, %dma_start3A_10, %dma_start3A_11] : memref<32x125x80xi32, #tpu.memory_space<hbm>> -> memref<1x125x80xi32, #tpu.memory_space<hbm>>
    %dma_start3A_13 = tpu.memref_squeeze %dma_start3A_12 : memref<1x125x80xi32, #tpu.memory_space<hbm>> -> memref<125x80xi32, #tpu.memory_space<hbm>>
    tpu.enqueue_dma source(%dma_start3A_13 : memref<125x80xi32, #tpu.memory_space<hbm>>) target(%arg7 : memref<125x80xi32, #tpu.memory_space<vmem>>) target_semaphore(%arg11 : memref<!tpu.dma_semaphore, #tpu.memory_space<semaphore_mem>>)
    %broadcast_in_dim3A = arith.constant 0.000000e+00 : f32
    %broadcast_in_dim3A_14 = vector.broadcast %broadcast_in_dim3A : f32 to vector<16xf32>
    %scan3A = arith.constant 0 : i32
    %scan3A_15 = arith.constant 0 : i32
    %scan3A_16 = arith.constant 80 : i32
    %scan3A_17 = arith.addi %scan3A_15, %scan3A_16 : i32
    %scan3A_18 = arith.constant 1 : i32
    %scan3A_19 = scf.for %scan3A_65 = %scan3A_15 to %scan3A_17 step %scan3A_18 iter_args(%scan3A_66 = %scan3A) -> (i32)  : i32 {
      %swap3A = arith.index_cast %scan3A_65 : i32 to index
      %swap3A_67 = arith.constant 0 : index
      %swap3A_68 = tpu.vector_load %arg8[%swap3A, %swap3A_67] {strides = array<i32>} : memref<80x128xf32, #tpu.memory_space<vmem>>, vector<1x16xf32>,
      %swap3A_69 = vector.shape_cast %swap3A_68 : vector<1x16xf32> to vector<16xf32>
      %swap3A_70 = vector.shape_cast %broadcast_in_dim3A_14 : vector<16xf32> to vector<1x16xf32>
      tpu.vector_store %arg8[%swap3A, %swap3A_67], %swap3A_70 {strides = array<i32>} : memref<80x128xf32, #tpu.memory_space<vmem>>, vector<1x16xf32>,
      %swap3A_71 = arith.index_cast %scan3A_65 : i32 to index
      %swap3A_72 = arith.constant 16 : index
      %swap3A_73 = tpu.vector_load %arg8[%swap3A_71, %swap3A_72] {strides = array<i32>} : memref<80x128xf32, #tpu.memory_space<vmem>>, vector<1x16xf32>,
      %swap3A_74 = vector.shape_cast %swap3A_73 : vector<1x16xf32> to vector<16xf32>
      %swap3A_75 = vector.shape_cast %broadcast_in_dim3A_14 : vector<16xf32> to vector<1x16xf32>
      tpu.vector_store %arg8[%swap3A_71, %swap3A_72], %swap3A_75 {strides = array<i32>} : memref<80x128xf32, #tpu.memory_space<vmem>>, vector<1x16xf32>,
      %swap3A_76 = arith.index_cast %scan3A_65 : i32 to index
      %swap3A_77 = arith.constant 32 : index
      %swap3A_78 = tpu.vector_load %arg8[%swap3A_76, %swap3A_77] {strides = array<i32>} : memref<80x128xf32, #tpu.memory_space<vmem>>, vector<1x16xf32>,
      %swap3A_79 = vector.shape_cast %swap3A_78 : vector<1x16xf32> to vector<16xf32>
      %swap3A_80 = vector.shape_cast %broadcast_in_dim3A_14 : vector<16xf32> to vector<1x16xf32>
      tpu.vector_store %arg8[%swap3A_76, %swap3A_77], %swap3A_80 {strides = array<i32>} : memref<80x128xf32, #tpu.memory_space<vmem>>, vector<1x16xf32>,
      %swap3A_81 = arith.index_cast %scan3A_65 : i32 to index
      %swap3A_82 = arith.constant 48 : index
      %swap3A_83 = tpu.vector_load %arg8[%swap3A_81, %swap3A_82] {strides = array<i32>} : memref<80x128xf32, #tpu.memory_space<vmem>>, vector<1x16xf32>,
      %swap3A_84 = vector.shape_cast %swap3A_83 : vector<1x16xf32> to vector<16xf32>
      %swap3A_85 = vector.shape_cast %broadcast_in_dim3A_14 : vector<16xf32> to vector<1x16xf32>
      tpu.vector_store %arg8[%swap3A_81, %swap3A_82], %swap3A_85 {strides = array<i32>} : memref<80x128xf32, #tpu.memory_space<vmem>>, vector<1x16xf32>,
      %swap3A_86 = arith.index_cast %scan3A_65 : i32 to index
      %swap3A_87 = arith.constant 64 : index
      %swap3A_88 = tpu.vector_load %arg8[%swap3A_86, %swap3A_87] {strides = array<i32>} : memref<80x128xf32, #tpu.memory_space<vmem>>, vector<1x16xf32>,
      %swap3A_89 = vector.shape_cast %swap3A_88 : vector<1x16xf32> to vector<16xf32>
      %swap3A_90 = vector.shape_cast %broadcast_in_dim3A_14 : vector<16xf32> to vector<1x16xf32>
      tpu.vector_store %arg8[%swap3A_86, %swap3A_87], %swap3A_90 {strides = array<i32>} : memref<80x128xf32, #tpu.memory_space<vmem>>, vector<1x16xf32>,
      %swap3A_91 = arith.index_cast %scan3A_65 : i32 to index
      %swap3A_92 = arith.constant 80 : index
      %swap3A_93 = tpu.vector_load %arg8[%swap3A_91, %swap3A_92] {strides = array<i32>} : memref<80x128xf32, #tpu.memory_space<vmem>>, vector<1x16xf32>,
      %swap3A_94 = vector.shape_cast %swap3A_93 : vector<1x16xf32> to vector<16xf32>
      %swap3A_95 = vector.shape_cast %broadcast_in_dim3A_14 : vector<16xf32> to vector<1x16xf32>
      tpu.vector_store %arg8[%swap3A_91, %swap3A_92], %swap3A_95 {strides = array<i32>} : memref<80x128xf32, #tpu.memory_space<vmem>>, vector<1x16xf32>,
      %swap3A_96 = arith.index_cast %scan3A_65 : i32 to index
      %swap3A_97 = arith.constant 96 : index
      %swap3A_98 = tpu.vector_load %arg8[%swap3A_96, %swap3A_97] {strides = array<i32>} : memref<80x128xf32, #tpu.memory_space<vmem>>, vector<1x16xf32>,
      %swap3A_99 = vector.shape_cast %swap3A_98 : vector<1x16xf32> to vector<16xf32>
      %swap3A_100 = vector.shape_cast %broadcast_in_dim3A_14 : vector<16xf32> to vector<1x16xf32>
      tpu.vector_store %arg8[%swap3A_96, %swap3A_97], %swap3A_100 {strides = array<i32>} : memref<80x128xf32, #tpu.memory_space<vmem>>, vector<1x16xf32>,
      %swap3A_101 = arith.index_cast %scan3A_65 : i32 to index
      %swap3A_102 = arith.constant 112 : index
      %swap3A_103 = tpu.vector_load %arg8[%swap3A_101, %swap3A_102] {strides = array<i32>} : memref<80x128xf32, #tpu.memory_space<vmem>>, vector<1x16xf32>,
      %swap3A_104 = vector.shape_cast %swap3A_103 : vector<1x16xf32> to vector<16xf32>
      %swap3A_105 = vector.shape_cast %broadcast_in_dim3A_14 : vector<16xf32> to vector<1x16xf32>
      tpu.vector_store %arg8[%swap3A_101, %swap3A_102], %swap3A_105 {strides = array<i32>} : memref<80x128xf32, #tpu.memory_space<vmem>>, vector<1x16xf32>,
      %scan3A_106 = arith.constant 0 : i32
      scf.yield %scan3A_106 : i32
    }
    %scan3A_20 = arith.constant 80 : i32
    %mul3A_21 = arith.constant 625 : i32
    %mul3A_22 = arith.muli %arg1, %mul3A_21 : i32
    %scan3A_23 = arith.constant 0 : i32
    %scan3A_24 = arith.constant 0 : i32
    %scan3A_25 = arith.constant 7 : i32
    %scan3A_26 = arith.addi %scan3A_24, %scan3A_25 : i32
    %scan3A_27 = arith.constant 1 : i32
    %scan3A_28 = scf.for %scan3A_65 = %scan3A_24 to %scan3A_26 step %scan3A_27 iter_args(%scan3A_66 = %scan3A_23) -> (i32)  : i32 {
      %mul3A_67 = arith.constant 80 : i32
      %mul3A_68 = arith.muli %scan3A_65, %mul3A_67 : i32
      %add3A_69 = arith.addi %mul3A_22, %mul3A_68 : i32
      "tpu.region"() ({
        %run_scoped3A_71 = tpu.sem_alloc : memref<!tpu.dma_semaphore, #tpu.memory_space<semaphore_mem>>
        %dma_start3A_72 = arith.constant 0 : i32
        %dma_start3A_73 = tpu.memref_slice %arg10[%add3A_69, %dma_start3A_72] : memref<10000x128xf32, #tpu.memory_space<vmem_shared>> -> memref<80x128xf32, #tpu.memory_space<vmem_shared>>
        %dma_start3A_74 = arith.constant 0 : i32
        %dma_start3A_75 = tpu.memref_slice %arg10[%add3A_69, %dma_start3A_74] : memref<10000x128xf32, #tpu.memory_space<vmem_shared>> -> memref<80x128xf32, #tpu.memory_space<vmem_shared>>
        tpu.enqueue_dma source(%arg8 : memref<80x128xf32, #tpu.memory_space<vmem>>) target(%dma_start3A_75 : memref<80x128xf32, #tpu.memory_space<vmem_shared>>) target_semaphore(%run_scoped3A_71 : memref<!tpu.dma_semaphore, #tpu.memory_space<semaphore_mem>>)
        %dma_wait3A_76 = arith.constant 0 : i32
        %dma_wait3A_77 = tpu.memref_slice %arg10[%add3A_69, %dma_wait3A_76] : memref<10000x128xf32, #tpu.memory_space<vmem_shared>> -> memref<80x128xf32, #tpu.memory_space<vmem_shared>>
        %dma_wait3A_78 = arith.constant 0 : i32
        %dma_wait3A_79 = tpu.memref_slice %arg10[%add3A_69, %dma_wait3A_78] : memref<10000x128xf32, #tpu.memory_space<vmem_shared>> -> memref<80x128xf32, #tpu.memory_space<vmem_shared>>
        tpu.wait_dma2 semaphore(%run_scoped3A_71 : memref<!tpu.dma_semaphore, #tpu.memory_space<semaphore_mem>>) src(%arg8 : memref<80x128xf32, #tpu.memory_space<vmem>>) dst(%dma_wait3A_79 : memref<80x128xf32, #tpu.memory_space<vmem_shared>>)
        tpu.yield
      }) : () -> ()
      %scan3A_70 = arith.constant 0 : i32
      scf.yield %scan3A_70 : i32
    }
    %scan3A_29 = arith.constant 7 : i32
    %add3A_30 = arith.constant 560 : i32
    %add3A_31 = arith.addi %mul3A_22, %add3A_30 : i32
    "tpu.region"() ({
      %run_scoped3A_65 = tpu.sem_alloc : memref<!tpu.dma_semaphore, #tpu.memory_space<semaphore_mem>>
      %dma_start3A_66 = arith.constant 0 : i32
      %dma_start3A_67 = arith.constant 0 : i32
      %dma_start3A_68 = tpu.memref_slice %arg8[%dma_start3A_66, %dma_start3A_67] : memref<80x128xf32, #tpu.memory_space<vmem>> -> memref<65x128xf32, #tpu.memory_space<vmem>>
      %dma_start3A_69 = arith.constant 0 : i32
      %dma_start3A_70 = tpu.memref_slice %arg10[%add3A_31, %dma_start3A_69] : memref<10000x128xf32, #tpu.memory_space<vmem_shared>> -> memref<65x128xf32, #tpu.memory_space<vmem_shared>>
      %dma_start3A_71 = arith.constant 0 : i32
      %dma_start3A_72 = tpu.memref_slice %arg10[%add3A_31, %dma_start3A_71] : memref<10000x128xf32, #tpu.memory_space<vmem_shared>> -> memref<65x128xf32, #tpu.memory_space<vmem_shared>>
      %dma_start3A_73 = arith.constant 0 : i32
      %dma_start3A_74 = arith.constant 0 : i32
      %dma_start3A_75 = tpu.memref_slice %arg8[%dma_start3A_73, %dma_start3A_74] : memref<80x128xf32, #tpu.memory_space<vmem>> -> memref<65x128xf32, #tpu.memory_space<vmem>>
      tpu.enqueue_dma source(%dma_start3A_75 : memref<65x128xf32, #tpu.memory_space<vmem>>) target(%dma_start3A_72 : memref<65x128xf32, #tpu.memory_space<vmem_shared>>) target_semaphore(%run_scoped3A_65 : memref<!tpu.dma_semaphore, #tpu.memory_space<semaphore_mem>>)
      %dma_wait3A_76 = arith.constant 0 : i32
      %dma_wait3A_77 = arith.constant 0 : i32
      %dma_wait3A_78 = tpu.memref_slice %arg8[%dma_wait3A_76, %dma_wait3A_77] : memref<80x128xf32, #tpu.memory_space<vmem>> -> memref<65x128xf32, #tpu.memory_space<vmem>>
      %dma_wait3A_79 = arith.constant 0 : i32
      %dma_wait3A_80 = tpu.memref_slice %arg10[%add3A_31, %dma_wait3A_79] : memref<10000x128xf32, #tpu.memory_space<vmem_shared>> -> memref<65x128xf32, #tpu.memory_space<vmem_shared>>
      %dma_wait3A_81 = arith.constant 0 : i32
      %dma_wait3A_82 = tpu.memref_slice %arg10[%add3A_31, %dma_wait3A_81] : memref<10000x128xf32, #tpu.memory_space<vmem_shared>> -> memref<65x128xf32, #tpu.memory_space<vmem_shared>>
      %dma_wait3A_83 = arith.constant 0 : i32
      %dma_wait3A_84 = arith.constant 0 : i32
      %dma_wait3A_85 = tpu.memref_slice %arg8[%dma_wait3A_83, %dma_wait3A_84] : memref<80x128xf32, #tpu.memory_space<vmem>> -> memref<65x128xf32, #tpu.memory_space<vmem>>
      tpu.wait_dma2 semaphore(%run_scoped3A_65 : memref<!tpu.dma_semaphore, #tpu.memory_space<semaphore_mem>>) src(%dma_wait3A_85 : memref<65x128xf32, #tpu.memory_space<vmem>>) dst(%dma_wait3A_82 : memref<65x128xf32, #tpu.memory_space<vmem_shared>>)
      tpu.yield
    }) : () -> ()
    %dma_wait3A = arith.constant 0 : i32
    %dma_wait3A_32 = tpu.memref_slice %arg3[%add3A, %dma_wait3A] : memref<32x10000xi32, #tpu.memory_space<hbm>> -> memref<1x10000xi32, #tpu.memory_space<hbm>>
    %dma_wait3A_33 = tpu.memref_squeeze %dma_wait3A_32 : memref<1x10000xi32, #tpu.memory_space<hbm>> -> memref<10000xi32, #tpu.memory_space<hbm>>
    %dma_wait3A_34 = arith.constant 0 : i32
    %dma_wait3A_35 = tpu.memref_slice %arg3[%add3A, %dma_wait3A_34] : memref<32x10000xi32, #tpu.memory_space<hbm>> -> memref<1x10000xi32, #tpu.memory_space<hbm>>
    %dma_wait3A_36 = tpu.memref_squeeze %dma_wait3A_35 : memref<1x10000xi32, #tpu.memory_space<hbm>> -> memref<10000xi32, #tpu.memory_space<hbm>>
    tpu.wait_dma2 semaphore(%arg11 : memref<!tpu.dma_semaphore, #tpu.memory_space<semaphore_mem>>) src(%dma_wait3A_36 : memref<10000xi32, #tpu.memory_space<hbm>>) dst(%arg6 : memref<10000xi32, #tpu.memory_space<vmem>>)
    %dma_wait3A_37 = arith.constant 0 : i32
    %dma_wait3A_38 = arith.constant 0 : i32
    %dma_wait3A_39 = tpu.memref_slice %arg4[%add3A, %dma_wait3A_37, %dma_wait3A_38] : memref<32x125x80xi32, #tpu.memory_space<hbm>> -> memref<1x125x80xi32, #tpu.memory_space<hbm>>
    %dma_wait3A_40 = tpu.memref_squeeze %dma_wait3A_39 : memref<1x125x80xi32, #tpu.memory_space<hbm>> -> memref<125x80xi32, #tpu.memory_space<hbm>>
    %dma_wait3A_41 = arith.constant 0 : i32
    %dma_wait3A_42 = arith.constant 0 : i32
    %dma_wait3A_43 = tpu.memref_slice %arg4[%add3A, %dma_wait3A_41, %dma_wait3A_42] : memref<32x125x80xi32, #tpu.memory_space<hbm>> -> memref<1x125x80xi32, #tpu.memory_space<hbm>>
    %dma_wait3A_44 = tpu.memref_squeeze %dma_wait3A_43 : memref<1x125x80xi32, #tpu.memory_space<hbm>> -> memref<125x80xi32, #tpu.memory_space<hbm>>
    tpu.wait_dma2 semaphore(%arg11 : memref<!tpu.dma_semaphore, #tpu.memory_space<semaphore_mem>>) src(%dma_wait3A_44 : memref<125x80xi32, #tpu.memory_space<hbm>>) dst(%arg7 : memref<125x80xi32, #tpu.memory_space<vmem>>)
    %barrier3A = arith.constant 0 : index
    tpu.barrier barrier_id(%barrier3A)
    %dma_start3A_45 = arith.constant 0 : i32
    %dma_start3A_46 = tpu.memref_slice %arg6[%dma_start3A_45] : memref<10000xi32, #tpu.memory_space<vmem>> -> memref<80xi32, #tpu.memory_space<vmem>>
    %dma_start3A_47 = arith.constant 0 : i32
    %dma_start3A_48 = arith.constant 0 : i32
    %dma_start3A_49 = tpu.memref_slice %arg2[%dma_start3A_47, %dma_start3A_48] : memref<10000x128xf32, #tpu.memory_space<hbm>> -> memref<10000x128xf32, #tpu.memory_space<hbm>>
    tpu.enqueue_indirect_dma source(%dma_start3A_49 : memref<10000x128xf32, #tpu.memory_space<hbm>>) target(%arg8 : memref<80x128xf32, #tpu.memory_space<vmem>>) offsets(%dma_start3A_46 : memref<80xi32, #tpu.memory_space<vmem>>) semaphore(%arg12 : memref<!tpu.dma_semaphore, #tpu.memory_space<semaphore_mem>>)
    %scan3A_50 = arith.constant 0 : i32
    %scan3A_51 = arith.constant 0 : i32
    %scan3A_52 = arith.constant 62 : i32
    %scan3A_53 = arith.addi %scan3A_51, %scan3A_52 : i32
    %scan3A_54 = arith.constant 1 : i32
    %scan3A_55 = scf.for %scan3A_65 = %scan3A_51 to %scan3A_53 step %scan3A_54 iter_args(%scan3A_66 = %scan3A_50) -> (i32)  : i32 {
      %mul3A_67 = arith.constant 2 : i32
      %mul3A_68 = arith.muli %scan3A_65, %mul3A_67 : i32
      %add3A_69 = arith.constant 0 : i32
      %add3A_70 = arith.addi %mul3A_68, %add3A_69 : i32
      %mul3A_71 = arith.constant 80 : i32
      %mul3A_72 = arith.muli %add3A_70, %mul3A_71 : i32
      %dma_wait3A_73 = tpu.memref_slice %arg6[%mul3A_72] : memref<10000xi32, #tpu.memory_space<vmem>> -> memref<80xi32, #tpu.memory_space<vmem>>
      %dma_wait3A_74 = arith.constant 0 : i32
      %dma_wait3A_75 = arith.constant 0 : i32
      %dma_wait3A_76 = tpu.memref_slice %arg2[%dma_wait3A_74, %dma_wait3A_75] : memref<10000x128xf32, #tpu.memory_space<hbm>> -> memref<10000x128xf32, #tpu.memory_space<hbm>>
      tpu.wait_indirect_dma semaphore(%arg12 : memref<!tpu.dma_semaphore, #tpu.memory_space<semaphore_mem>>) src(%dma_wait3A_76 : memref<10000x128xf32, #tpu.memory_space<hbm>>) dst(%arg8 : memref<80x128xf32, #tpu.memory_space<vmem>>)
      %add3A_77 = arith.constant 1 : i32
      %add3A_78 = arith.addi %add3A_70, %add3A_77 : i32
      %lt3A_79 = arith.constant 125 : i32
      %lt3A_80 = arith.cmpi slt, %add3A_78, %lt3A_79 : i32
      %convert_element_type3A_81 = arith.extui %lt3A_80 : i1 to i32
      %cond3A_82 = arith.constant 0 : i32
      %cond3A_83 = arith.cmpi ne, %convert_element_type3A_81, %cond3A_82 : i32
      scf.if %cond3A_83 {
        %add3A_100 = arith.constant 1 : i32
        %add3A_101 = arith.addi %add3A_70, %add3A_100 : i32
        %mul3A_102 = arith.constant 80 : i32
        %mul3A_103 = arith.muli %add3A_101, %mul3A_102 : i32
        %dma_start3A_104 = tpu.memref_slice %arg6[%mul3A_103] : memref<10000xi32, #tpu.memory_space<vmem>> -> memref<80xi32, #tpu.memory_space<vmem>>
        %dma_start3A_105 = arith.constant 0 : i32
        %dma_start3A_106 = arith.constant 0 : i32
        %dma_start3A_107 = tpu.memref_slice %arg2[%dma_start3A_105, %dma_start3A_106] : memref<10000x128xf32, #tpu.memory_space<hbm>> -> memref<10000x128xf32, #tpu.memory_space<hbm>>
        tpu.enqueue_indirect_dma source(%dma_start3A_107 : memref<10000x128xf32, #tpu.memory_space<hbm>>) target(%arg9 : memref<80x128xf32, #tpu.memory_space<vmem>>) offsets(%dma_start3A_104 : memref<80xi32, #tpu.memory_space<vmem>>) semaphore(%arg13 : memref<!tpu.dma_semaphore, #tpu.memory_space<semaphore_mem>>)
      } else {
      }
      "tpu.region"() ({
        %run_scoped3A_100 = tpu.sem_alloc : memref<!tpu.dma_semaphore, #tpu.memory_space<semaphore_mem>>
        %dma_start3A_101 = arith.constant 0 : i32
        %dma_start3A_102 = tpu.memref_slice %arg7[%add3A_70, %dma_start3A_101] : memref<125x80xi32, #tpu.memory_space<vmem>> -> memref<1x80xi32, #tpu.memory_space<vmem>>
        %dma_start3A_103 = tpu.memref_squeeze %dma_start3A_102 : memref<1x80xi32, #tpu.memory_space<vmem>> -> memref<80xi32, #tpu.memory_space<vmem>>
        %dma_start3A_104 = arith.constant 0 : i32
        %dma_start3A_105 = arith.constant 0 : i32
        %dma_start3A_106 = tpu.memref_slice %arg10[%dma_start3A_104, %dma_start3A_105] : memref<10000x128xf32, #tpu.memory_space<vmem_shared>> -> memref<10000x128xf32, #tpu.memory_space<vmem_shared>>
        tpu.enqueue_indirect_dma source(%arg8 : memref<80x128xf32, #tpu.memory_space<vmem>>) target(%dma_start3A_106 : memref<10000x128xf32, #tpu.memory_space<vmem_shared>>) offsets(%dma_start3A_103 : memref<80xi32, #tpu.memory_space<vmem>>) semaphore(%run_scoped3A_100 : memref<!tpu.dma_semaphore, #tpu.memory_space<semaphore_mem>>) {add = true}
        %dma_wait3A_107 = arith.constant 0 : i32
        %dma_wait3A_108 = tpu.memref_slice %arg7[%add3A_70, %dma_wait3A_107] : memref<125x80xi32, #tpu.memory_space<vmem>> -> memref<1x80xi32, #tpu.memory_space<vmem>>
        %dma_wait3A_109 = tpu.memref_squeeze %dma_wait3A_108 : memref<1x80xi32, #tpu.memory_space<vmem>> -> memref<80xi32, #tpu.memory_space<vmem>>
        %dma_wait3A_110 = arith.constant 0 : i32
        %dma_wait3A_111 = arith.constant 0 : i32
        %dma_wait3A_112 = tpu.memref_slice %arg10[%dma_wait3A_110, %dma_wait3A_111] : memref<10000x128xf32, #tpu.memory_space<vmem_shared>> -> memref<10000x128xf32, #tpu.memory_space<vmem_shared>>
        tpu.wait_indirect_dma semaphore(%run_scoped3A_100 : memref<!tpu.dma_semaphore, #tpu.memory_space<semaphore_mem>>) src(%arg8 : memref<80x128xf32, #tpu.memory_space<vmem>>) dst(%dma_wait3A_112 : memref<10000x128xf32, #tpu.memory_space<vmem_shared>>)
        tpu.yield
      }) : () -> ()
      %add3A_84 = arith.constant 1 : i32
      %add3A_85 = arith.addi %mul3A_68, %add3A_84 : i32
      %mul3A_86 = arith.constant 80 : i32
      %mul3A_87 = arith.muli %add3A_85, %mul3A_86 : i32
      %dma_wait3A_88 = tpu.memref_slice %arg6[%mul3A_87] : memref<10000xi32, #tpu.memory_space<vmem>> -> memref<80xi32, #tpu.memory_space<vmem>>
      %dma_wait3A_89 = arith.constant 0 : i32
      %dma_wait3A_90 = arith.constant 0 : i32
      %dma_wait3A_91 = tpu.memref_slice %arg2[%dma_wait3A_89, %dma_wait3A_90] : memref<10000x128xf32, #tpu.memory_space<hbm>> -> memref<10000x128xf32, #tpu.memory_space<hbm>>
      tpu.wait_indirect_dma semaphore(%arg13 : memref<!tpu.dma_semaphore, #tpu.memory_space<semaphore_mem>>) src(%dma_wait3A_91 : memref<10000x128xf32, #tpu.memory_space<hbm>>) dst(%arg9 : memref<80x128xf32, #tpu.memory_space<vmem>>)
      %add3A_92 = arith.constant 1 : i32
      %add3A_93 = arith.addi %add3A_85, %add3A_92 : i32
      %lt3A_94 = arith.constant 125 : i32
      %lt3A_95 = arith.cmpi slt, %add3A_93, %lt3A_94 : i32
      %convert_element_type3A_96 = arith.extui %lt3A_95 : i1 to i32
      %cond3A_97 = arith.constant 0 : i32
      %cond3A_98 = arith.cmpi ne, %convert_element_type3A_96, %cond3A_97 : i32
      scf.if %cond3A_98 {
        %add3A_100 = arith.constant 1 : i32
        %add3A_101 = arith.addi %add3A_85, %add3A_100 : i32
        %mul3A_102 = arith.constant 80 : i32
        %mul3A_103 = arith.muli %add3A_101, %mul3A_102 : i32
        %dma_start3A_104 = tpu.memref_slice %arg6[%mul3A_103] : memref<10000xi32, #tpu.memory_space<vmem>> -> memref<80xi32, #tpu.memory_space<vmem>>
        %dma_start3A_105 = arith.constant 0 : i32
        %dma_start3A_106 = arith.constant 0 : i32
        %dma_start3A_107 = tpu.memref_slice %arg2[%dma_start3A_105, %dma_start3A_106] : memref<10000x128xf32, #tpu.memory_space<hbm>> -> memref<10000x128xf32, #tpu.memory_space<hbm>>
        tpu.enqueue_indirect_dma source(%dma_start3A_107 : memref<10000x128xf32, #tpu.memory_space<hbm>>) target(%arg8 : memref<80x128xf32, #tpu.memory_space<vmem>>) offsets(%dma_start3A_104 : memref<80xi32, #tpu.memory_space<vmem>>) semaphore(%arg12 : memref<!tpu.dma_semaphore, #tpu.memory_space<semaphore_mem>>)
      } else {
      }
      "tpu.region"() ({
        %run_scoped3A_100 = tpu.sem_alloc : memref<!tpu.dma_semaphore, #tpu.memory_space<semaphore_mem>>
        %dma_start3A_101 = arith.constant 0 : i32
        %dma_start3A_102 = tpu.memref_slice %arg7[%add3A_85, %dma_start3A_101] : memref<125x80xi32, #tpu.memory_space<vmem>> -> memref<1x80xi32, #tpu.memory_space<vmem>>
        %dma_start3A_103 = tpu.memref_squeeze %dma_start3A_102 : memref<1x80xi32, #tpu.memory_space<vmem>> -> memref<80xi32, #tpu.memory_space<vmem>>
        %dma_start3A_104 = arith.constant 0 : i32
        %dma_start3A_105 = arith.constant 0 : i32
        %dma_start3A_106 = tpu.memref_slice %arg10[%dma_start3A_104, %dma_start3A_105] : memref<10000x128xf32, #tpu.memory_space<vmem_shared>> -> memref<10000x128xf32, #tpu.memory_space<vmem_shared>>
        tpu.enqueue_indirect_dma source(%arg9 : memref<80x128xf32, #tpu.memory_space<vmem>>) target(%dma_start3A_106 : memref<10000x128xf32, #tpu.memory_space<vmem_shared>>) offsets(%dma_start3A_103 : memref<80xi32, #tpu.memory_space<vmem>>) semaphore(%run_scoped3A_100 : memref<!tpu.dma_semaphore, #tpu.memory_space<semaphore_mem>>) {add = true}
        %dma_wait3A_107 = arith.constant 0 : i32
        %dma_wait3A_108 = tpu.memref_slice %arg7[%add3A_85, %dma_wait3A_107] : memref<125x80xi32, #tpu.memory_space<vmem>> -> memref<1x80xi32, #tpu.memory_space<vmem>>
        %dma_wait3A_109 = tpu.memref_squeeze %dma_wait3A_108 : memref<1x80xi32, #tpu.memory_space<vmem>> -> memref<80xi32, #tpu.memory_space<vmem>>
        %dma_wait3A_110 = arith.constant 0 : i32
        %dma_wait3A_111 = arith.constant 0 : i32
        %dma_wait3A_112 = tpu.memref_slice %arg10[%dma_wait3A_110, %dma_wait3A_111] : memref<10000x128xf32, #tpu.memory_space<vmem_shared>> -> memref<10000x128xf32, #tpu.memory_space<vmem_shared>>
        tpu.wait_indirect_dma semaphore(%run_scoped3A_100 : memref<!tpu.dma_semaphore, #tpu.memory_space<semaphore_mem>>) src(%arg9 : memref<80x128xf32, #tpu.memory_space<vmem>>) dst(%dma_wait3A_112 : memref<10000x128xf32, #tpu.memory_space<vmem_shared>>)
        tpu.yield
      }) : () -> ()
      %scan3A_99 = arith.constant 0 : i32
      scf.yield %scan3A_99 : i32
    }
    %scan3A_56 = arith.constant 62 : i32
    %dma_wait3A_57 = arith.constant 9920 : i32
    %dma_wait3A_58 = tpu.memref_slice %arg6[%dma_wait3A_57] : memref<10000xi32, #tpu.memory_space<vmem>> -> memref<80xi32, #tpu.memory_space<vmem>>
    %dma_wait3A_59 = arith.constant 0 : i32
    %dma_wait3A_60 = arith.constant 0 : i32
    %dma_wait3A_61 = tpu.memref_slice %arg2[%dma_wait3A_59, %dma_wait3A_60] : memref<10000x128xf32, #tpu.memory_space<hbm>> -> memref<10000x128xf32, #tpu.memory_space<hbm>>
    tpu.wait_indirect_dma semaphore(%arg12 : memref<!tpu.dma_semaphore, #tpu.memory_space<semaphore_mem>>) src(%dma_wait3A_61 : memref<10000x128xf32, #tpu.memory_space<hbm>>) dst(%arg8 : memref<80x128xf32, #tpu.memory_space<vmem>>)
    %run_scoped3A = arith.constant 124 : i32
    "tpu.region"() ({
      %run_scoped3A_65 = tpu.sem_alloc : memref<!tpu.dma_semaphore, #tpu.memory_space<semaphore_mem>>
      %dma_start3A_66 = arith.constant 0 : i32
      %dma_start3A_67 = tpu.memref_slice %arg7[%run_scoped3A, %dma_start3A_66] : memref<125x80xi32, #tpu.memory_space<vmem>> -> memref<1x80xi32, #tpu.memory_space<vmem>>
      %dma_start3A_68 = tpu.memref_squeeze %dma_start3A_67 : memref<1x80xi32, #tpu.memory_space<vmem>> -> memref<80xi32, #tpu.memory_space<vmem>>
      %dma_start3A_69 = arith.constant 0 : i32
      %dma_start3A_70 = arith.constant 0 : i32
      %dma_start3A_71 = tpu.memref_slice %arg10[%dma_start3A_69, %dma_start3A_70] : memref<10000x128xf32, #tpu.memory_space<vmem_shared>> -> memref<10000x128xf32, #tpu.memory_space<vmem_shared>>
      tpu.enqueue_indirect_dma source(%arg8 : memref<80x128xf32, #tpu.memory_space<vmem>>) target(%dma_start3A_71 : memref<10000x128xf32, #tpu.memory_space<vmem_shared>>) offsets(%dma_start3A_68 : memref<80xi32, #tpu.memory_space<vmem>>) semaphore(%run_scoped3A_65 : memref<!tpu.dma_semaphore, #tpu.memory_space<semaphore_mem>>) {add = true}
      %dma_wait3A_72 = arith.constant 0 : i32
      %dma_wait3A_73 = tpu.memref_slice %arg7[%run_scoped3A, %dma_wait3A_72] : memref<125x80xi32, #tpu.memory_space<vmem>> -> memref<1x80xi32, #tpu.memory_space<vmem>>
      %dma_wait3A_74 = tpu.memref_squeeze %dma_wait3A_73 : memref<1x80xi32, #tpu.memory_space<vmem>> -> memref<80xi32, #tpu.memory_space<vmem>>
      %dma_wait3A_75 = arith.constant 0 : i32
      %dma_wait3A_76 = arith.constant 0 : i32
      %dma_wait3A_77 = tpu.memref_slice %arg10[%dma_wait3A_75, %dma_wait3A_76] : memref<10000x128xf32, #tpu.memory_space<vmem_shared>> -> memref<10000x128xf32, #tpu.memory_space<vmem_shared>>
      tpu.wait_indirect_dma semaphore(%run_scoped3A_65 : memref<!tpu.dma_semaphore, #tpu.memory_space<semaphore_mem>>) src(%arg8 : memref<80x128xf32, #tpu.memory_space<vmem>>) dst(%dma_wait3A_77 : memref<10000x128xf32, #tpu.memory_space<vmem_shared>>)
      tpu.yield
    }) : () -> ()
    %barrier3A_62 = arith.constant 0 : index
    tpu.barrier barrier_id(%barrier3A_62)
    %lt3A = arith.constant 10 : i32
    %lt3A_63 = arith.cmpi slt, %arg1, %lt3A : i32
    %convert_element_type3A = arith.extui %lt3A_63 : i1 to i32
    %cond3A = arith.constant 0 : i32
    %cond3A_64 = arith.cmpi ne, %convert_element_type3A, %cond3A : i32
    scf.if %cond3A_64 {
      %mul3A_65 = arith.constant 1000 : i32
      %mul3A_66 = arith.muli %arg1, %mul3A_65 : i32
      %mul3A_67 = arith.constant 1000 : i32
      %mul3A_68 = arith.muli %arg1, %mul3A_67 : i32
      "tpu.region"() ({
        %run_scoped3A_69 = tpu.sem_alloc : memref<!tpu.dma_semaphore, #tpu.memory_space<semaphore_mem>>
        %dma_start3A_70 = arith.constant 0 : i32
        %dma_start3A_71 = tpu.memref_slice %arg5[%arg0, %mul3A_68, %dma_start3A_70] : memref<2x10000x128xf32, #tpu.memory_space<hbm>> -> memref<1x1000x128xf32, #tpu.memory_space<hbm>>
        %dma_start3A_72 = tpu.memref_squeeze %dma_start3A_71 : memref<1x1000x128xf32, #tpu.memory_space<hbm>> -> memref<1000x128xf32, #tpu.memory_space<hbm>>
        %dma_start3A_73 = arith.constant 0 : i32
        %dma_start3A_74 = tpu.memref_slice %arg10[%mul3A_66, %dma_start3A_73] : memref<10000x128xf32, #tpu.memory_space<vmem_shared>> -> memref<1000x128xf32, #tpu.memory_space<vmem_shared>>
        tpu.enqueue_dma source(%dma_start3A_74 : memref<1000x128xf32, #tpu.memory_space<vmem_shared>>) target(%dma_start3A_72 : memref<1000x128xf32, #tpu.memory_space<hbm>>) target_semaphore(%run_scoped3A_69 : memref<!tpu.dma_semaphore, #tpu.memory_space<semaphore_mem>>)
        %dma_wait3A_75 = arith.constant 0 : i32
        %dma_wait3A_76 = tpu.memref_slice %arg5[%arg0, %mul3A_68, %dma_wait3A_75] : memref<2x10000x128xf32, #tpu.memory_space<hbm>> -> memref<1x1000x128xf32, #tpu.memory_space<hbm>>
        %dma_wait3A_77 = tpu.memref_squeeze %dma_wait3A_76 : memref<1x1000x128xf32, #tpu.memory_space<hbm>> -> memref<1000x128xf32, #tpu.memory_space<hbm>>
        %dma_wait3A_78 = arith.constant 0 : i32
        %dma_wait3A_79 = tpu.memref_slice %arg10[%mul3A_66, %dma_wait3A_78] : memref<10000x128xf32, #tpu.memory_space<vmem_shared>> -> memref<1000x128xf32, #tpu.memory_space<vmem_shared>>
        tpu.wait_dma2 semaphore(%run_scoped3A_69 : memref<!tpu.dma_semaphore, #tpu.memory_space<semaphore_mem>>) src(%dma_wait3A_79 : memref<1000x128xf32, #tpu.memory_space<vmem_shared>>) dst(%dma_wait3A_77 : memref<1000x128xf32, #tpu.memory_space<hbm>>)
        tpu.yield
      }) : () -> ()
    } else {
    }
    return
  }
}

module attributes {stable_mosaic.version = 14 : i64} {
  func.func @_tc_layer_body(%arg0: memref<10000x128xf32, #tpu.memory_space<vmem>>, %arg1: memref<2x10000x128xf32, #tpu.memory_space<vmem>>, %arg2: memref<128x128xf32, #tpu.memory_space<vmem>>, %arg3: memref<1x128xf32, #tpu.memory_space<vmem>>, %arg4: memref<1x128xf32, #tpu.memory_space<vmem>>, %arg5: memref<1x128xf32, #tpu.memory_space<vmem>>, %arg6: memref<128x128xf32, #tpu.memory_space<vmem>>, %arg7: memref<1x128xf32, #tpu.memory_space<vmem>>, %arg8: memref<1x128xf32, #tpu.memory_space<vmem>>, %arg9: memref<1x128xf32, #tpu.memory_space<vmem>>, %arg10: memref<10000x1xi32, #tpu.memory_space<vmem>>, %arg11: memref<10000x128xf32, #tpu.memory_space<vmem>>, %arg12: memref<64x128xf32, #tpu.memory_space<vmem>>) attributes {dimension_semantics = [], scalar_prefetch = 0 : i64, scratch_operands = 0 : i64, tpu.core_type = #tpu.core_type<tc>} {
    %get3A = arith.constant 0 : index
    %get3A_0 = arith.constant 0 : index
    %get3A_1 = vector.load %arg0[%get3A, %get3A_0] : memref<10000x128xf32, #tpu.memory_space<vmem>>, vector<10000x128xf32>
    %get3A_2 = arith.constant 0 : index
    %get3A_3 = arith.constant 0 : index
    %get3A_4 = arith.constant 0 : index
    %get3A_5 = vector.load %arg1[%get3A_2, %get3A_3, %get3A_4] : memref<2x10000x128xf32, #tpu.memory_space<vmem>>, vector<1x10000x128xf32>
    %get3A_6 = vector.shape_cast %get3A_5 : vector<1x10000x128xf32> to vector<10000x128xf32>
    %add3A = arith.addf %get3A_1, %get3A_6 : vector<10000x128xf32>
    %get3A_7 = arith.constant 1 : index
    %get3A_8 = arith.constant 0 : index
    %get3A_9 = arith.constant 0 : index
    %get3A_10 = vector.load %arg1[%get3A_7, %get3A_8, %get3A_9] : memref<2x10000x128xf32, #tpu.memory_space<vmem>>, vector<1x10000x128xf32>
    %get3A_11 = vector.shape_cast %get3A_10 : vector<1x10000x128xf32> to vector<10000x128xf32>
    %add3A_12 = arith.addf %add3A, %get3A_11 : vector<10000x128xf32>
    %get3A_13 = arith.constant 0 : index
    %get3A_14 = arith.constant 0 : index
    %get3A_15 = vector.load %arg2[%get3A_13, %get3A_14] : memref<128x128xf32, #tpu.memory_space<vmem>>, vector<128x128xf32>
    %dot_general3A = arith.constant dense<0.000000e+00> : vector<10000x128xf32>
    %dot_general3A_16 = tpu.matmul %add3A_12, %get3A_15, %dot_general3A {dimension_numbers = #tpu.dot_dimension_numbers<[1], [0], [0], [1], [0, 0, 1, 1], [], []>, transpose_lhs_hint = false} : vector<10000x128xf32>, vector<128x128xf32>, vector<10000x128xf32> -> vector<10000x128xf32>
    %get3A_17 = arith.constant 0 : index
    %get3A_18 = arith.constant 0 : index
    %get3A_19 = vector.load %arg3[%get3A_17, %get3A_18] : memref<1x128xf32, #tpu.memory_space<vmem>>, vector<1x128xf32>
    %add3A_20 = vector.broadcast %get3A_19 : vector<1x128xf32> to vector<10000x128xf32>
    %add3A_21 = arith.addf %dot_general3A_16, %add3A_20 : vector<10000x128xf32>
    %get3A_22 = arith.constant 0 : index
    %get3A_23 = arith.constant 0 : index
    %get3A_24 = vector.load %arg4[%get3A_22, %get3A_23] : memref<1x128xf32, #tpu.memory_space<vmem>>, vector<1x128xf32>
    %get3A_25 = arith.constant 0 : index
    %get3A_26 = arith.constant 0 : index
    %get3A_27 = vector.load %arg5[%get3A_25, %get3A_26] : memref<1x128xf32, #tpu.memory_space<vmem>>, vector<1x128xf32>
    %reduce_sum3A = arith.constant dense<0.000000e+00> : vector<128xf32>
    %reduce_sum3A_28 = vector.multi_reduction <add>, %add3A_21, %reduce_sum3A [0] : vector<10000x128xf32> to vector<128xf32>
    %div3A = arith.constant 1.000000e+04 : f32
    %div3A_29 = vector.broadcast %div3A : f32 to vector<128xf32>
    %div3A_30 = arith.divf %reduce_sum3A_28, %div3A_29 : vector<128xf32>
    %broadcast_in_dim3A = vector.shape_cast %div3A_30 : vector<128xf32> to vector<1x128xf32>
    %sub3A = vector.broadcast %broadcast_in_dim3A : vector<1x128xf32> to vector<10000x128xf32>
    %sub3A_31 = arith.subf %add3A_21, %sub3A : vector<10000x128xf32>
    %mul3A = arith.mulf %sub3A_31, %sub3A_31 : vector<10000x128xf32>
    %reduce_sum3A_32 = arith.constant dense<0.000000e+00> : vector<128xf32>
    %reduce_sum3A_33 = vector.multi_reduction <add>, %mul3A, %reduce_sum3A_32 [0] : vector<10000x128xf32> to vector<128xf32>
    %div3A_34 = arith.constant 1.000000e+04 : f32
    %div3A_35 = vector.broadcast %div3A_34 : f32 to vector<128xf32>
    %div3A_36 = arith.divf %reduce_sum3A_33, %div3A_35 : vector<128xf32>
    %add3A_37 = arith.constant 9.99999974E-6 : f32
    %add3A_38 = vector.broadcast %add3A_37 : f32 to vector<128xf32>
    %add3A_39 = arith.addf %div3A_36, %add3A_38 : vector<128xf32>
    %rsqrt3A = math.rsqrt %add3A_39 : vector<128xf32>
    %broadcast_in_dim3A_40 = vector.shape_cast %rsqrt3A : vector<128xf32> to vector<1x128xf32>
    %mul3A_41 = vector.broadcast %broadcast_in_dim3A_40 : vector<1x128xf32> to vector<10000x128xf32>
    %mul3A_42 = arith.mulf %sub3A_31, %mul3A_41 : vector<10000x128xf32>
    %mul3A_43 = vector.broadcast %get3A_24 : vector<1x128xf32> to vector<10000x128xf32>
    %mul3A_44 = arith.mulf %mul3A_42, %mul3A_43 : vector<10000x128xf32>
    %add3A_45 = vector.broadcast %get3A_27 : vector<1x128xf32> to vector<10000x128xf32>
    %add3A_46 = arith.addf %mul3A_44, %add3A_45 : vector<10000x128xf32>
    %max3A = arith.constant 0.000000e+00 : f32
    %max3A_47 = vector.broadcast %max3A : f32 to vector<10000x128xf32>
    %max3A_48 = arith.maximumf %add3A_46, %max3A_47 : vector<10000x128xf32>
    %get3A_49 = arith.constant 0 : index
    %get3A_50 = arith.constant 0 : index
    %get3A_51 = vector.load %arg6[%get3A_49, %get3A_50] : memref<128x128xf32, #tpu.memory_space<vmem>>, vector<128x128xf32>
    %dot_general3A_52 = arith.constant dense<0.000000e+00> : vector<10000x128xf32>
    %dot_general3A_53 = tpu.matmul %max3A_48, %get3A_51, %dot_general3A_52 {dimension_numbers = #tpu.dot_dimension_numbers<[1], [0], [0], [1], [0, 0, 1, 1], [], []>, transpose_lhs_hint = false} : vector<10000x128xf32>, vector<128x128xf32>, vector<10000x128xf32> -> vector<10000x128xf32>
    %get3A_54 = arith.constant 0 : index
    %get3A_55 = arith.constant 0 : index
    %get3A_56 = vector.load %arg7[%get3A_54, %get3A_55] : memref<1x128xf32, #tpu.memory_space<vmem>>, vector<1x128xf32>
    %add3A_57 = vector.broadcast %get3A_56 : vector<1x128xf32> to vector<10000x128xf32>
    %add3A_58 = arith.addf %dot_general3A_53, %add3A_57 : vector<10000x128xf32>
    %get3A_59 = arith.constant 0 : index
    %get3A_60 = arith.constant 0 : index
    %get3A_61 = vector.load %arg8[%get3A_59, %get3A_60] : memref<1x128xf32, #tpu.memory_space<vmem>>, vector<1x128xf32>
    %get3A_62 = arith.constant 0 : index
    %get3A_63 = arith.constant 0 : index
    %get3A_64 = vector.load %arg9[%get3A_62, %get3A_63] : memref<1x128xf32, #tpu.memory_space<vmem>>, vector<1x128xf32>
    %reduce_sum3A_65 = arith.constant dense<0.000000e+00> : vector<128xf32>
    %reduce_sum3A_66 = vector.multi_reduction <add>, %add3A_58, %reduce_sum3A_65 [0] : vector<10000x128xf32> to vector<128xf32>
    %div3A_67 = arith.constant 1.000000e+04 : f32
    %div3A_68 = vector.broadcast %div3A_67 : f32 to vector<128xf32>
    %div3A_69 = arith.divf %reduce_sum3A_66, %div3A_68 : vector<128xf32>
    %broadcast_in_dim3A_70 = vector.shape_cast %div3A_69 : vector<128xf32> to vector<1x128xf32>
    %sub3A_71 = vector.broadcast %broadcast_in_dim3A_70 : vector<1x128xf32> to vector<10000x128xf32>
    %sub3A_72 = arith.subf %add3A_58, %sub3A_71 : vector<10000x128xf32>
    %mul3A_73 = arith.mulf %sub3A_72, %sub3A_72 : vector<10000x128xf32>
    %reduce_sum3A_74 = arith.constant dense<0.000000e+00> : vector<128xf32>
    %reduce_sum3A_75 = vector.multi_reduction <add>, %mul3A_73, %reduce_sum3A_74 [0] : vector<10000x128xf32> to vector<128xf32>
    %div3A_76 = arith.constant 1.000000e+04 : f32
    %div3A_77 = vector.broadcast %div3A_76 : f32 to vector<128xf32>
    %div3A_78 = arith.divf %reduce_sum3A_75, %div3A_77 : vector<128xf32>
    %add3A_79 = arith.constant 9.99999974E-6 : f32
    %add3A_80 = vector.broadcast %add3A_79 : f32 to vector<128xf32>
    %add3A_81 = arith.addf %div3A_78, %add3A_80 : vector<128xf32>
    %rsqrt3A_82 = math.rsqrt %add3A_81 : vector<128xf32>
    %broadcast_in_dim3A_83 = vector.shape_cast %rsqrt3A_82 : vector<128xf32> to vector<1x128xf32>
    %mul3A_84 = vector.broadcast %broadcast_in_dim3A_83 : vector<1x128xf32> to vector<10000x128xf32>
    %mul3A_85 = arith.mulf %sub3A_72, %mul3A_84 : vector<10000x128xf32>
    %mul3A_86 = vector.broadcast %get3A_61 : vector<1x128xf32> to vector<10000x128xf32>
    %mul3A_87 = arith.mulf %mul3A_85, %mul3A_86 : vector<10000x128xf32>
    %add3A_88 = vector.broadcast %get3A_64 : vector<1x128xf32> to vector<10000x128xf32>
    %add3A_89 = arith.addf %mul3A_87, %add3A_88 : vector<10000x128xf32>
    %max3A_90 = arith.constant 0.000000e+00 : f32
    %max3A_91 = vector.broadcast %max3A_90 : f32 to vector<10000x128xf32>
    %max3A_92 = arith.maximumf %add3A_89, %max3A_91 : vector<10000x128xf32>
    %get3A_93 = arith.constant 0 : index
    %get3A_94 = arith.constant 0 : index
    %get3A_95 = vector.load %arg10[%get3A_93, %get3A_94] : memref<10000x1xi32, #tpu.memory_space<vmem>>, vector<10000x1xi32>
    %iota3A = tpu.iota {dimensions = array<i32: 1>} : vector<10000x64xi32>
    %eq3A = vector.broadcast %get3A_95 : vector<10000x1xi32> to vector<10000x64xi32>
    %eq3A_96 = arith.cmpi eq, %eq3A, %iota3A : vector<10000x64xi32>
    %convert_element_type3A = arith.extui %eq3A_96 : vector<10000x64xi1> to vector<10000x64xi32>
    %convert_element_type3A_97 = arith.sitofp %convert_element_type3A : vector<10000x64xi32> to vector<10000x64xf32>
    %dot_general3A_98 = arith.constant dense<0.000000e+00> : vector<64x128xf32>
    %dot_general3A_99 = tpu.matmul %convert_element_type3A_97, %max3A_92, %dot_general3A_98 {dimension_numbers = #tpu.dot_dimension_numbers<[0], [0], [1], [1], [0, 1, 1, 1], [], []>, transpose_lhs_hint = false} : vector<10000x64xf32>, vector<10000x128xf32>, vector<64x128xf32> -> vector<64x128xf32>
    %swap3A = arith.constant 0 : index
    %swap3A_100 = arith.constant 0 : index
    %swap3A_101 = vector.load %arg11[%swap3A, %swap3A_100] : memref<10000x128xf32, #tpu.memory_space<vmem>>, vector<10000x128xf32>
    tpu.vector_store %arg11[%swap3A, %swap3A_100], %max3A_92 {strides = array<i32>} : memref<10000x128xf32, #tpu.memory_space<vmem>>, vector<10000x128xf32>,
    %swap3A_102 = arith.constant 0 : index
    %swap3A_103 = arith.constant 0 : index
    %swap3A_104 = vector.load %arg12[%swap3A_102, %swap3A_103] : memref<64x128xf32, #tpu.memory_space<vmem>>, vector<64x128xf32>
    tpu.vector_store %arg12[%swap3A_102, %swap3A_103], %dot_general3A_99 {strides = array<i32>} : memref<64x128xf32, #tpu.memory_space<vmem>>, vector<64x128xf32>,
    return
  }
}

module attributes {stable_mosaic.version = 14 : i64} {
  func.func @_tc_last_body(%arg0: memref<10000x128xf32, #tpu.memory_space<vmem>>, %arg1: memref<2x10000x128xf32, #tpu.memory_space<vmem>>, %arg2: memref<128x128xf32, #tpu.memory_space<vmem>>, %arg3: memref<1x128xf32, #tpu.memory_space<vmem>>, %arg4: memref<1x128xf32, #tpu.memory_space<vmem>>, %arg5: memref<1x128xf32, #tpu.memory_space<vmem>>, %arg6: memref<128x128xf32, #tpu.memory_space<vmem>>, %arg7: memref<1x128xf32, #tpu.memory_space<vmem>>, %arg8: memref<1x128xf32, #tpu.memory_space<vmem>>, %arg9: memref<1x128xf32, #tpu.memory_space<vmem>>, %arg10: memref<10000x1xi32, #tpu.memory_space<vmem>>, %arg11: memref<64x128xf32, #tpu.memory_space<vmem>>, %arg12: memref<64x128xf32, #tpu.memory_space<vmem>>, %arg13: memref<384x128xf32, #tpu.memory_space<vmem>>, %arg14: memref<1x128xf32, #tpu.memory_space<vmem>>, %arg15: memref<128x10xf32, #tpu.memory_space<vmem>>, %arg16: memref<1x10xf32, #tpu.memory_space<vmem>>, %arg17: memref<64x10xf32, #tpu.memory_space<vmem>>) attributes {dimension_semantics = [], scalar_prefetch = 0 : i64, scratch_operands = 0 : i64, tpu.core_type = #tpu.core_type<tc>} {
    %get3A = arith.constant 0 : index
    %get3A_0 = arith.constant 0 : index
    %get3A_1 = vector.load %arg0[%get3A, %get3A_0] : memref<10000x128xf32, #tpu.memory_space<vmem>>, vector<10000x128xf32>
    %get3A_2 = arith.constant 0 : index
    %get3A_3 = arith.constant 0 : index
    %get3A_4 = arith.constant 0 : index
    %get3A_5 = vector.load %arg1[%get3A_2, %get3A_3, %get3A_4] : memref<2x10000x128xf32, #tpu.memory_space<vmem>>, vector<1x10000x128xf32>
    %get3A_6 = vector.shape_cast %get3A_5 : vector<1x10000x128xf32> to vector<10000x128xf32>
    %add3A = arith.addf %get3A_1, %get3A_6 : vector<10000x128xf32>
    %get3A_7 = arith.constant 1 : index
    %get3A_8 = arith.constant 0 : index
    %get3A_9 = arith.constant 0 : index
    %get3A_10 = vector.load %arg1[%get3A_7, %get3A_8, %get3A_9] : memref<2x10000x128xf32, #tpu.memory_space<vmem>>, vector<1x10000x128xf32>
    %get3A_11 = vector.shape_cast %get3A_10 : vector<1x10000x128xf32> to vector<10000x128xf32>
    %add3A_12 = arith.addf %add3A, %get3A_11 : vector<10000x128xf32>
    %get3A_13 = arith.constant 0 : index
    %get3A_14 = arith.constant 0 : index
    %get3A_15 = vector.load %arg2[%get3A_13, %get3A_14] : memref<128x128xf32, #tpu.memory_space<vmem>>, vector<128x128xf32>
    %dot_general3A = arith.constant dense<0.000000e+00> : vector<10000x128xf32>
    %dot_general3A_16 = tpu.matmul %add3A_12, %get3A_15, %dot_general3A {dimension_numbers = #tpu.dot_dimension_numbers<[1], [0], [0], [1], [0, 0, 1, 1], [], []>, transpose_lhs_hint = false} : vector<10000x128xf32>, vector<128x128xf32>, vector<10000x128xf32> -> vector<10000x128xf32>
    %get3A_17 = arith.constant 0 : index
    %get3A_18 = arith.constant 0 : index
    %get3A_19 = vector.load %arg3[%get3A_17, %get3A_18] : memref<1x128xf32, #tpu.memory_space<vmem>>, vector<1x128xf32>
    %add3A_20 = vector.broadcast %get3A_19 : vector<1x128xf32> to vector<10000x128xf32>
    %add3A_21 = arith.addf %dot_general3A_16, %add3A_20 : vector<10000x128xf32>
    %get3A_22 = arith.constant 0 : index
    %get3A_23 = arith.constant 0 : index
    %get3A_24 = vector.load %arg4[%get3A_22, %get3A_23] : memref<1x128xf32, #tpu.memory_space<vmem>>, vector<1x128xf32>
    %get3A_25 = arith.constant 0 : index
    %get3A_26 = arith.constant 0 : index
    %get3A_27 = vector.load %arg5[%get3A_25, %get3A_26] : memref<1x128xf32, #tpu.memory_space<vmem>>, vector<1x128xf32>
    %reduce_sum3A = arith.constant dense<0.000000e+00> : vector<128xf32>
    %reduce_sum3A_28 = vector.multi_reduction <add>, %add3A_21, %reduce_sum3A [0] : vector<10000x128xf32> to vector<128xf32>
    %div3A = arith.constant 1.000000e+04 : f32
    %div3A_29 = vector.broadcast %div3A : f32 to vector<128xf32>
    %div3A_30 = arith.divf %reduce_sum3A_28, %div3A_29 : vector<128xf32>
    %broadcast_in_dim3A = vector.shape_cast %div3A_30 : vector<128xf32> to vector<1x128xf32>
    %sub3A = vector.broadcast %broadcast_in_dim3A : vector<1x128xf32> to vector<10000x128xf32>
    %sub3A_31 = arith.subf %add3A_21, %sub3A : vector<10000x128xf32>
    %mul3A = arith.mulf %sub3A_31, %sub3A_31 : vector<10000x128xf32>
    %reduce_sum3A_32 = arith.constant dense<0.000000e+00> : vector<128xf32>
    %reduce_sum3A_33 = vector.multi_reduction <add>, %mul3A, %reduce_sum3A_32 [0] : vector<10000x128xf32> to vector<128xf32>
    %div3A_34 = arith.constant 1.000000e+04 : f32
    %div3A_35 = vector.broadcast %div3A_34 : f32 to vector<128xf32>
    %div3A_36 = arith.divf %reduce_sum3A_33, %div3A_35 : vector<128xf32>
    %add3A_37 = arith.constant 9.99999974E-6 : f32
    %add3A_38 = vector.broadcast %add3A_37 : f32 to vector<128xf32>
    %add3A_39 = arith.addf %div3A_36, %add3A_38 : vector<128xf32>
    %rsqrt3A = math.rsqrt %add3A_39 : vector<128xf32>
    %broadcast_in_dim3A_40 = vector.shape_cast %rsqrt3A : vector<128xf32> to vector<1x128xf32>
    %mul3A_41 = vector.broadcast %broadcast_in_dim3A_40 : vector<1x128xf32> to vector<10000x128xf32>
    %mul3A_42 = arith.mulf %sub3A_31, %mul3A_41 : vector<10000x128xf32>
    %mul3A_43 = vector.broadcast %get3A_24 : vector<1x128xf32> to vector<10000x128xf32>
    %mul3A_44 = arith.mulf %mul3A_42, %mul3A_43 : vector<10000x128xf32>
    %add3A_45 = vector.broadcast %get3A_27 : vector<1x128xf32> to vector<10000x128xf32>
    %add3A_46 = arith.addf %mul3A_44, %add3A_45 : vector<10000x128xf32>
    %max3A = arith.constant 0.000000e+00 : f32
    %max3A_47 = vector.broadcast %max3A : f32 to vector<10000x128xf32>
    %max3A_48 = arith.maximumf %add3A_46, %max3A_47 : vector<10000x128xf32>
    %get3A_49 = arith.constant 0 : index
    %get3A_50 = arith.constant 0 : index
    %get3A_51 = vector.load %arg6[%get3A_49, %get3A_50] : memref<128x128xf32, #tpu.memory_space<vmem>>, vector<128x128xf32>
    %dot_general3A_52 = arith.constant dense<0.000000e+00> : vector<10000x128xf32>
    %dot_general3A_53 = tpu.matmul %max3A_48, %get3A_51, %dot_general3A_52 {dimension_numbers = #tpu.dot_dimension_numbers<[1], [0], [0], [1], [0, 0, 1, 1], [], []>, transpose_lhs_hint = false} : vector<10000x128xf32>, vector<128x128xf32>, vector<10000x128xf32> -> vector<10000x128xf32>
    %get3A_54 = arith.constant 0 : index
    %get3A_55 = arith.constant 0 : index
    %get3A_56 = vector.load %arg7[%get3A_54, %get3A_55] : memref<1x128xf32, #tpu.memory_space<vmem>>, vector<1x128xf32>
    %add3A_57 = vector.broadcast %get3A_56 : vector<1x128xf32> to vector<10000x128xf32>
    %add3A_58 = arith.addf %dot_general3A_53, %add3A_57 : vector<10000x128xf32>
    %get3A_59 = arith.constant 0 : index
    %get3A_60 = arith.constant 0 : index
    %get3A_61 = vector.load %arg8[%get3A_59, %get3A_60] : memref<1x128xf32, #tpu.memory_space<vmem>>, vector<1x128xf32>
    %get3A_62 = arith.constant 0 : index
    %get3A_63 = arith.constant 0 : index
    %get3A_64 = vector.load %arg9[%get3A_62, %get3A_63] : memref<1x128xf32, #tpu.memory_space<vmem>>, vector<1x128xf32>
    %reduce_sum3A_65 = arith.constant dense<0.000000e+00> : vector<128xf32>
    %reduce_sum3A_66 = vector.multi_reduction <add>, %add3A_58, %reduce_sum3A_65 [0] : vector<10000x128xf32> to vector<128xf32>
    %div3A_67 = arith.constant 1.000000e+04 : f32
    %div3A_68 = vector.broadcast %div3A_67 : f32 to vector<128xf32>
    %div3A_69 = arith.divf %reduce_sum3A_66, %div3A_68 : vector<128xf32>
    %broadcast_in_dim3A_70 = vector.shape_cast %div3A_69 : vector<128xf32> to vector<1x128xf32>
    %sub3A_71 = vector.broadcast %broadcast_in_dim3A_70 : vector<1x128xf32> to vector<10000x128xf32>
    %sub3A_72 = arith.subf %add3A_58, %sub3A_71 : vector<10000x128xf32>
    %mul3A_73 = arith.mulf %sub3A_72, %sub3A_72 : vector<10000x128xf32>
    %reduce_sum3A_74 = arith.constant dense<0.000000e+00> : vector<128xf32>
    %reduce_sum3A_75 = vector.multi_reduction <add>, %mul3A_73, %reduce_sum3A_74 [0] : vector<10000x128xf32> to vector<128xf32>
    %div3A_76 = arith.constant 1.000000e+04 : f32
    %div3A_77 = vector.broadcast %div3A_76 : f32 to vector<128xf32>
    %div3A_78 = arith.divf %reduce_sum3A_75, %div3A_77 : vector<128xf32>
    %add3A_79 = arith.constant 9.99999974E-6 : f32
    %add3A_80 = vector.broadcast %add3A_79 : f32 to vector<128xf32>
    %add3A_81 = arith.addf %div3A_78, %add3A_80 : vector<128xf32>
    %rsqrt3A_82 = math.rsqrt %add3A_81 : vector<128xf32>
    %broadcast_in_dim3A_83 = vector.shape_cast %rsqrt3A_82 : vector<128xf32> to vector<1x128xf32>
    %mul3A_84 = vector.broadcast %broadcast_in_dim3A_83 : vector<1x128xf32> to vector<10000x128xf32>
    %mul3A_85 = arith.mulf %sub3A_72, %mul3A_84 : vector<10000x128xf32>
    %mul3A_86 = vector.broadcast %get3A_61 : vector<1x128xf32> to vector<10000x128xf32>
    %mul3A_87 = arith.mulf %mul3A_85, %mul3A_86 : vector<10000x128xf32>
    %add3A_88 = vector.broadcast %get3A_64 : vector<1x128xf32> to vector<10000x128xf32>
    %add3A_89 = arith.addf %mul3A_87, %add3A_88 : vector<10000x128xf32>
    %max3A_90 = arith.constant 0.000000e+00 : f32
    %max3A_91 = vector.broadcast %max3A_90 : f32 to vector<10000x128xf32>
    %max3A_92 = arith.maximumf %add3A_89, %max3A_91 : vector<10000x128xf32>
    %get3A_93 = arith.constant 0 : index
    %get3A_94 = arith.constant 0 : index
    %get3A_95 = vector.load %arg10[%get3A_93, %get3A_94] : memref<10000x1xi32, #tpu.memory_space<vmem>>, vector<10000x1xi32>
    %iota3A = tpu.iota {dimensions = array<i32: 1>} : vector<10000x64xi32>
    %eq3A = vector.broadcast %get3A_95 : vector<10000x1xi32> to vector<10000x64xi32>
    %eq3A_96 = arith.cmpi eq, %eq3A, %iota3A : vector<10000x64xi32>
    %convert_element_type3A = arith.extui %eq3A_96 : vector<10000x64xi1> to vector<10000x64xi32>
    %convert_element_type3A_97 = arith.sitofp %convert_element_type3A : vector<10000x64xi32> to vector<10000x64xf32>
    %dot_general3A_98 = arith.constant dense<0.000000e+00> : vector<64x128xf32>
    %dot_general3A_99 = tpu.matmul %convert_element_type3A_97, %max3A_92, %dot_general3A_98 {dimension_numbers = #tpu.dot_dimension_numbers<[0], [0], [1], [1], [0, 1, 1, 1], [], []>, transpose_lhs_hint = false} : vector<10000x64xf32>, vector<10000x128xf32>, vector<64x128xf32> -> vector<64x128xf32>
    %get3A_100 = arith.constant 0 : index
    %get3A_101 = arith.constant 0 : index
    %get3A_102 = vector.load %arg11[%get3A_100, %get3A_101] : memref<64x128xf32, #tpu.memory_space<vmem>>, vector<64x128xf32>
    %get3A_103 = arith.constant 0 : index
    %get3A_104 = arith.constant 0 : index
    %get3A_105 = vector.load %arg13[%get3A_103, %get3A_104] : memref<384x128xf32, #tpu.memory_space<vmem>>, vector<128x128xf32>
    %dot_general3A_106 = arith.constant dense<0.000000e+00> : vector<64x128xf32>
    %dot_general3A_107 = tpu.matmul %get3A_102, %get3A_105, %dot_general3A_106 {dimension_numbers = #tpu.dot_dimension_numbers<[1], [0], [0], [1], [0, 0, 1, 1], [], []>, transpose_lhs_hint = false} : vector<64x128xf32>, vector<128x128xf32>, vector<64x128xf32> -> vector<64x128xf32>
    %get3A_108 = arith.constant 0 : index
    %get3A_109 = arith.constant 0 : index
    %get3A_110 = vector.load %arg12[%get3A_108, %get3A_109] : memref<64x128xf32, #tpu.memory_space<vmem>>, vector<64x128xf32>
    %get3A_111 = arith.constant 128 : index
    %get3A_112 = arith.constant 0 : index
    %get3A_113 = vector.load %arg13[%get3A_111, %get3A_112] : memref<384x128xf32, #tpu.memory_space<vmem>>, vector<128x128xf32>
    %dot_general3A_114 = arith.constant dense<0.000000e+00> : vector<64x128xf32>
    %dot_general3A_115 = tpu.matmul %get3A_110, %get3A_113, %dot_general3A_114 {dimension_numbers = #tpu.dot_dimension_numbers<[1], [0], [0], [1], [0, 0, 1, 1], [], []>, transpose_lhs_hint = false} : vector<64x128xf32>, vector<128x128xf32>, vector<64x128xf32> -> vector<64x128xf32>
    %add3A_116 = arith.addf %dot_general3A_107, %dot_general3A_115 : vector<64x128xf32>
    %get3A_117 = arith.constant 256 : index
    %get3A_118 = arith.constant 0 : index
    %get3A_119 = vector.load %arg13[%get3A_117, %get3A_118] : memref<384x128xf32, #tpu.memory_space<vmem>>, vector<128x128xf32>
    %dot_general3A_120 = arith.constant dense<0.000000e+00> : vector<64x128xf32>
    %dot_general3A_121 = tpu.matmul %dot_general3A_99, %get3A_119, %dot_general3A_120 {dimension_numbers = #tpu.dot_dimension_numbers<[1], [0], [0], [1], [0, 0, 1, 1], [], []>, transpose_lhs_hint = false} : vector<64x128xf32>, vector<128x128xf32>, vector<64x128xf32> -> vector<64x128xf32>
    %add3A_122 = arith.addf %add3A_116, %dot_general3A_121 : vector<64x128xf32>
    %get3A_123 = arith.constant 0 : index
    %get3A_124 = arith.constant 0 : index
    %get3A_125 = vector.load %arg14[%get3A_123, %get3A_124] : memref<1x128xf32, #tpu.memory_space<vmem>>, vector<1x128xf32>
    %add3A_126 = vector.broadcast %get3A_125 : vector<1x128xf32> to vector<64x128xf32>
    %add3A_127 = arith.addf %add3A_122, %add3A_126 : vector<64x128xf32>
    %max3A_128 = arith.constant 0.000000e+00 : f32
    %max3A_129 = vector.broadcast %max3A_128 : f32 to vector<64x128xf32>
    %max3A_130 = arith.maximumf %add3A_127, %max3A_129 : vector<64x128xf32>
    %get3A_131 = arith.constant 0 : index
    %get3A_132 = arith.constant 0 : index
    %get3A_133 = vector.load %arg15[%get3A_131, %get3A_132] : memref<128x10xf32, #tpu.memory_space<vmem>>, vector<128x10xf32>
    %dot_general3A_134 = arith.constant dense<0.000000e+00> : vector<64x10xf32>
    %dot_general3A_135 = tpu.matmul %max3A_130, %get3A_133, %dot_general3A_134 {dimension_numbers = #tpu.dot_dimension_numbers<[1], [0], [0], [1], [0, 0, 1, 1], [], []>, transpose_lhs_hint = false} : vector<64x128xf32>, vector<128x10xf32>, vector<64x10xf32> -> vector<64x10xf32>
    %get3A_136 = arith.constant 0 : index
    %get3A_137 = arith.constant 0 : index
    %get3A_138 = vector.load %arg16[%get3A_136, %get3A_137] : memref<1x10xf32, #tpu.memory_space<vmem>>, vector<1x10xf32>
    %add3A_139 = vector.broadcast %get3A_138 : vector<1x10xf32> to vector<64x10xf32>
    %add3A_140 = arith.addf %dot_general3A_135, %add3A_139 : vector<64x10xf32>
    %swap3A = arith.constant 0 : index
    %swap3A_141 = arith.constant 0 : index
    %swap3A_142 = vector.load %arg17[%swap3A, %swap3A_141] : memref<64x10xf32, #tpu.memory_space<vmem>>, vector<64x10xf32>
    tpu.vector_store %arg17[%swap3A, %swap3A_141], %add3A_140 {strides = array<i32>} : memref<64x10xf32, #tpu.memory_space<vmem>>, vector<64x10xf32>,
    return
  }
}

</mosaic_0001>

<sc_bundles>
// kernel: kernel.11.cloned.1.call-start
scs
__scs_entry_jumppad:
0x0: {  	(pc) =	sbr.rel $0x88, $3  }
0x1: {  	(tag) =	ssettag $0x0;
	lr =	simm.s32 $0x1  }
0x2: {  	[smem:$0x3F82] =	sst lr;
	_ =	strace $0xD0000000  }
0x3: {  	_ = 	snop  }
0x4: {  	_ = 	snop  }
0x5: {  	_ = 	snop  }
0x6: {  	_ = 	snop  }
0x7: {  	_ = 	snop  }
__scs_overlays_trampoline_lowered:
0x8: {  	[smem:$0x3F91] =	sst s0  }
0x9: {  	[smem:$0x3F92] =	sst s1  }
0xa: {  	[smem:$0x3F93] =	sst s2  }
0xb: {  	[smem:$0x3F94] =	sst s3  }
0xc: {  	[smem:$0x3F95] =	sst s4  }
0xd: {  	[smem:$0x3F96] =	sst s5  }
0xe: {  	[smem:$0x3F97] =	sst s6  }
0xf: {  	[smem:$0x3F98] =	sst s7  }
0x10: {  	[smem:$0x3F99] =	sst s8  }
0x11: {  	[smem:$0x3F9A] =	sst s9;
	s0 =	simm.s32 @!p0 $0x0  }
0x12: {  	s1 =	sld [smem:$0x3F80];
	s0 =	simm.s32 @p0 $0x1  }
0x13: {  	[smem:$0x3F9B] =	sst s0;
	s0 =	simm.s32 @!p1 $0x0  }
0x14: {  	s2 =	sld [smem:$0x3F7F];
	s0 =	simm.s32 @p1 $0x1  }
0x15: {  	[smem:$0x3F9C] =	sst s0;
	s0 =	simm.s32 @!p2 $0x0  }
0x16: {  	s3 =	sld [smem:$0x3FDB];
	s0 =	simm.s32 @p2 $0x1  }
0x17: {  	s4 =	simm.s32 $0x1BF5;
	[smem:$0x3F9E] =	sst s0  }
0x18: {  	s0 =	sld [smem:$0x3F81];
	_ =	swait.ge [sflag:s4], $0x0  }
0x19: {  	s7 =	sld [smem:$0x3F82]  }
0x1a: {  	s8 =	sadd.s32 $0xFFFFE003, lr  }
0x1b: {  	s9 =	sadd.s32 $0xFFFFFEF7, lr;
	s5 =	simm.s32 $0xFFFFFFFF;
	p2 =	slt.u32 s8, $0xFFFFF086  }
0x1c: {  	p1 =	slt.u32 s9, $0xF7A;
	s5 =	simm.s32 @!p2 $0x0  }
0x1d: {  	s5 =	simm.s32 @p1 $0x1;
	p0 =	seq.s32 s7, s2  }
0x1e: {  	s7 =	smul.u32 @!p0 $0xF7A, s2;
	p2 =	seq.s32 @!p0 s5, $0x0  }
0x1f: {  	s9 =	smul.u32 $0xF7A, s1;
	s8 =	simm.s32 @!p0 $0x1BF5;
	p2 =	por !p2, p0  }
0x20: {  	[sflag:s8] =	ssyncset.s32 @!p0 $0xFFFFF086;
	s6 =	sadd.s32 @!p0 s3, s7;
	s7 =	simm.s32 @!p0 $0x108  }
0x21: {  	s3 =	sadd.s32 s3, s9;
	s6 =	sadd.s32 @!p0 $0x88, s6;
	s7 =	simm.s32 @p2 $0x1082  }
0x22: {  	[simem:s7], [sflag:s8] =	dma.local @!p0 [hbm:s6], $0xF7A  }
0x23: {  	s9 =	sor.u32 $0xD0000000, s2;
	s6 =	simm.s32 $0x108;
	_ =	swait.ge @!p0 [sflag:s8], $0x0  }
0x24: {  	s3 =	sadd.s32 $0x88, s3;
	s6 =	simm.s32 @!p1 $0x1082;
	[sflag:s4] =	ssyncset.s32 $0xFFFFF086  }
0x25: {  	[simem:s6], [sflag:s4] =	dma.local [hbm:s3], $0xF7A  }
0x26: {  	[smem:$0x3F82] =	sst s1;
	(tag) =	ssettag s2;
	_ =	strace s9  }
0x27: {  	s1 =	sld [smem:$0x3F92]  }
0x28: {  	s2 =	sld [smem:$0x3F93]  }
0x29: {  	s4 =	sld [smem:$0x3F95]  }
0x2a: {  	p0 =	seq.s32 s5, $0x0;
	s5 =	sld [smem:$0x3F96]  }
0x2b: {  	s6 =	sld [smem:$0x3F97]  }
0x2c: {  	s7 =	sld [smem:$0x3F98]  }
0x2d: {  	s3 =	simm.s32 $0x108;
	s8 =	sld [smem:$0x3F99]  }
0x2e: {  	s3 =	simm.s32 @!p0 $0x1082;
	s9 =	sld [smem:$0x3F9A]  }
0x2f: {  	lr =	sadd.s32 s0, s3;
	s0 =	sld [smem:$0x3F91]  }
0x30: {  	s3 =	sld [smem:$0x3F94]  }
0x31: {  	[smem:$0x3F9D] =	sst s10  }
0x32: {  	s10 =	sld [smem:$0x3F9B];
	_ =	sdelay $0x3  }
0x33: {  	p0 =	seq.s32 s10, $0x1;
	s10 =	sld [smem:$0x3F9D];
	_ =	sdelay $0x3  }
0x34: {  	[smem:$0x3F9D] =	sst s10  }
0x35: {  	s10 =	sld [smem:$0x3F9C];
	_ =	sdelay $0x3  }
0x36: {  	p1 =	seq.s32 s10, $0x1;
	s10 =	sld [smem:$0x3F9D];
	_ =	sdelay $0x3  }
0x37: {  	[smem:$0x3F9D] =	sst s10  }
0x38: {  	s10 =	sld [smem:$0x3F9E]  }
0x39: {  	_ = 	snop;
	(pc) =	sbr.ind lr, $3  }
0x3a: {  	_ = 	snop  }
0x3b: {  	_ = 	snop  }
0x3c: {  	p2 =	seq.s32 s10, $0x1;
	s10 =	sld [smem:$0x3F9D]  }
0x3d: {  	_ =	shalt  }
0x3e: {  	_ =	shalt  }
0x3f: {  	_ =	shalt  }
0x40: {  	_ =	shalt  }
0x41: {  	_ =	shalt  }
0x42: {  	_ =	shalt  }
0x43: {  	_ =	shalt  }
0x44: {  	_ =	shalt  }
0x45: {  	_ =	shalt  }
0x46: {  	_ =	shalt  }
0x47: {  	_ =	shalt  }
0x48: {  	_ =	shalt  }
0x49: {  	_ =	shalt  }
0x4a: {  	_ =	shalt  }
0x4b: {  	_ =	shalt  }
0x4c: {  	_ =	shalt  }
0x4d: {  	_ =	shalt  }
0x4e: {  	_ =	shalt  }
0x4f: {  	_ =	shalt  }
0x50: {  	_ =	shalt  }
0x51: {  	_ =	shalt  }
0x52: {  	_ =	shalt  }
0x53: {  	_ =	shalt  }
0x54: {  	_ =	shalt  }
0x55: {  	_ =	shalt  }
0x56: {  	_ =	shalt  }
0x57: {  	_ =	shalt  }
0x58: {  	_ =	shalt  }
0x59: {  	_ =	shalt  }
0x5a: {  	_ =	shalt  }
0x5b: {  	_ =	shalt  }
0x5c: {  	_ =	shalt  }
0x5d: {  	_ =	shalt  }
0x5e: {  	_ =	shalt  }
0x5f: {  	_ =	shalt  }
0x60: {  	_ =	shalt  }
0x61: {  	_ =	shalt  }
0x62: {  	_ =	shalt  }
0x63: {  	_ =	shalt  }
0x64: {  	_ =	shalt  }
0x65: {  	_ =	shalt  }
0x66: {  	_ =	shalt  }
0x67: {  	_ =	shalt  }
0x68: {  	_ =	shalt  }
0x69: {  	_ =	shalt  }
0x6a: {  	_ =	shalt  }
0x6b: {  	_ =	shalt  }
0x6c: {  	_ =	shalt  }
0x6d: {  	_ =	shalt  }
0x6e: {  	_ =	shalt  }
0x6f: {  	_ =	shalt  }
0x70: {  	_ =	shalt  }
0x71: {  	_ =	shalt  }
0x72: {  	_ =	shalt  }
0x73: {  	_ =	shalt  }
0x74: {  	_ =	shalt  }
0x75: {  	_ =	shalt  }
0x76: {  	_ =	shalt  }
0x77: {  	_ =	shalt  }
0x78: {  	_ =	shalt  }
0x79: {  	_ =	shalt  }
0x7a: {  	_ =	shalt  }
0x7b: {  	_ =	shalt  }
0x7c: {  	_ =	shalt  }
0x7d: {  	_ =	shalt  }
0x7e: {  	_ =	shalt  }
0x7f: {  	_ =	shalt  }
0x80: {  	_ =	shalt  }
0x81: {  	_ =	shalt  }
0x82: {  	_ =	shalt  }
0x83: {  	_ =	shalt  }
0x84: {  	_ =	shalt  }
0x85: {  	_ =	shalt  }
0x86: {  	_ =	shalt  }
0x87: {  	_ =	shalt  }
.Lfunc_end0:
.L_simem_size_0:
called_computation.1_lowered:
.L_overlay_start_0:
0x88: {  	s2 =	sld [smem:$0x3FD9]  }
0x89: {  	s3 =	sld [smem:$0x3FFE];
	_ =	sdelay $0x1  }
0x8a: {  	s1 =	srdreg.scid  }
0x8b: {  	s0 =	sand.u32 $0x1, s1  }
0x8c: {  	s16 =	sshll.u32 s0, $0xA;
	s2 =	sadd.s32 s3, s2  }
0x8d: {  	s2 =	sadd.s32 s2, s16  }
0x8e: {  	[smem:$0x3FA9] =	sst s2  }
0x8f: {  	_ = 	snop  }
0x90: {  	(tm) =	ssettm $0x1  }
0x91: {  	s17 =	sld [smem:$0x3FFB];
	_ =	sdelay $0x3  }
0x92: {  	_ =	strace s17  }
0x93: {  	s2 =	sld [smem:$0x3FFC];
	_ =	sdelay $0x3  }
0x94: {  	_ =	strace s2  }
0x95: {  	s2 =	sld [smem:$0x3FFD];
	_ =	sdelay $0x3  }
0x96: {  	_ =	strace s2  }
0x97: {  	_ =	strace $0x8FFFFFFF  }
0x98: {  	s18 =	sld [smem:$0x3FDB];
	_ =	sdelay $0x1  }
0x99: {  	s19 =	simm.s32 $_scs_section_size  }
0x9a: {  	s4 =	simm.s32 $_size__tile_overlayer_lowered;
	s5 =	simm.s32 $_tile_overlayer_lowered  }
0x9b: {  	s22 =	simm.s32 $0x1BFF;
	s21 =	sshll.u32 s5, $0x1;
	s2 =	sadd.s32 s19, s18  }
0x9c: {  	s6 =	simm.s32 $0x0;
	s20 =	sshll.u32 s4, $0x1;
	s4 =	sadd.s32 s21, s2  }
0x9d: {  	[timem:s6], [sflag:s22] =	dma.local [hbm:s4], s20  }
0x9e: {  	_ =	swait.ge [sflag:s22], s20  }
0x9f: {  	s3 =	ssub.s32 $0x0, s20;
	[sflag:s22] =	ssyncset.done $0x0  }
0xa0: {  	[sflag:s22] =	ssyncadd.s32 s3;
	_ =	sdelay $0x1  }
0xa1: {  	s23 =	simm.s32 $0x1B8B  }
0xa2: {  	_ =	swait.ge [sflag:s23], $0x1  }
0xa3: {  	[sflag:s23] =	ssyncset.done $0x0  }
0xa4: {  	s25 =	simm.s32 $0x1B8E;
	s24 =	sld [smem:$0x3FFE];
	[sflag:s23] =	ssyncadd.s32 $0xFFFFFFFF  }
0xa5: {  	s26 =	simm.s32 $execute0_lowered;
	[smem:$0x3FD2] =	sst s25  }
0xa6: {  	s4 =	sshll.u32 s26, $0x1;
	_ =	strace $0x80000049;
	[dreg:$0x1] =	wrdreg $0xFFFFFFFF  }
0xa7: {  	s28 =	simm.s32 $_size_execute0_lowered;
	s2 =	sadd.s32 s2, s4;
	[dreg:$0x0] =	wrdreg $0x0  }
0xa8: {  	s4 =	sshll.u32 s28, $0x1;
	[dreg:$0x2] =	wrdreg s2  }
0xa9: {  	[dreg:$0x3] =	wrdreg s4  }
0xaa: {  	[dreg:$0x4] =	wrdreg $0xC0  }
0xab: {  	_ =	task [dreg:s6], $0x5FFFF  }
0xac: {  	[dreg:$0x1] =	wrdreg $0xFFFFFFFF  }
0xad: {  	[dreg:$0x0] =	wrdreg $0x60  }
0xae: {  	[dreg:$0x2] =	wrdreg s24  }
0xaf: {  	[dreg:$0x3] =	wrdreg $0xB7800  }
0xb0: {  	[dreg:$0x4] =	wrdreg $0x9  }
0xb1: {  	_ =	task.clear_ibuf [dreg:s6], $0x5FFFF;
	_ =	strace $0x90000049  }
0xb2: {  	s29 =	simm.s32 $0x9;
	_ =	strace $0x8000004B  }
0xb3: {  	_ =	swait.ge [sflag:s29], $0x1  }
0xb4: {  	[sflag:s29] =	ssyncadd.s32 $0xFFFFFFFF  }
0xb5: {  	_ =	strace $0x9000004B  }
0xb6: {  	_ =	sfence  }
0xb7: {  	s30 =	sld [smem:$0x0];
	_ =	sdelay $0x2  }
0xb8: {  	s31 =	sshll.u32 s1, $0xD;
	s1 =	sshrl.u32 s1, $0x2  }
0xb9: {  	s3 =	sand.u32 $0x4000, s31;
	s1 =	sadd.s32 s1, s30  }
0xba: {  	s0 =	sor.u32 s3, s0;
	s1 =	sshll.u32 s1, $0x11  }
0xbb: {  	s0 =	sor.u32 s1, s0  }
0xbc: {  	s0 =	sadd.s32 $0x8F2B, s0  }
0xbd: {  	[sflag:s0] =	ssyncadd.remote.s32 $0x1  }
0xbe: {  	_ =	sfence.sel $0xFFFF  }
0xbf: {  	[dreg:$0x0] =	wrdreg $0xFFFFFFFF;
	(pc) =	sbr.abs _section_cstart, $3  }
0xc0: {  	[dreg:$0x1] =	wrdreg $0xFFFFFFFF  }
0xc1: {  	_ =	task.clear_ibuf [dreg:s6], $0x2FFFF;
	_ =	strace $0x9FFFFFFF  }
0xc2: {  	(tm) =	ssettm $0x7FFFFFFF  }
0xc3: {  	_ =	shalt  }
tec
execute0_lowered:
.L_overlay_start_1:
0x0: {  	(tag) =	ssettag $0x1  }
0x1: {  	s0 =	srdreg.scid;
	s5 =	rddreg [dreg:$0x0]  }
0x2: {  	s17 =	stileid.u32;
	s2 =	rddreg [dreg:$0x1]  }
0x3: {  	s19 =	simm.s32 $0x2780;
	s20 =	simm.s32 $0x6780;
	s21 =	simm.s32 $0x4  }
0x4: {  	s22 =	simm.s32 $0x1;
	s23 =	simm.s32 $0x2;
	s18 =	stileid.u32  }
0x5: {  	s28 =	simm.s32 $0x3;
	s29 =	simm.s32 $0x6580;
	s9 =	smul.u32 $0x1F400, s17  }
0x6: {  	s30 =	simm.s32 $0x0;
	s1 =	sand.u32 $0x1, s0;
	s24 =	smul.u32 $0x4E200, s17  }
0x7: {  	s7 =	sshll.u32 s17, $0x7;
	s26 =	smul.u32 $0x7D000, s17;
	p0 =	sgt.u32 s17, $0x9  }
0x8: {  	s3 =	sshll.u32 s1, $0x4;
	s7 =	sand.u32 $0x380, s7;
	s8 =	smul.u32 $0x138800, s1  }
0x9: {  	s1 =	ssub.s32 $0x2, s1;
	s6 =	sor.u32 s17, s3;
	s3 =	simm.s32 $0x0  }
0xa: {  	s25 =	sshrl.u32 s1, $0x1;
	s31 =	sshrl.u32 s24, $0x2;
	s11 =	sshrl.u32 s26, $0x2  }
0xb: {  	s24 =	simm.s32 $0x50;
	s26 =	simm.s32 $0x8F80;
	s4 =	sshrl.u32 s6, $0x3  }
0xc: {  	[smem:$0x7FF] =	sst s3;
	s6 =	sshll.u32 s6, $0xB;
	s4 =	smul.u32 $0x13C00, s4  }
0xd: {  	s8 =	sadd.s32 s9, s8;
	s1 =	ssub.s32 s1, s25;
	s25 =	sadd.s32 s11, s2  }
0xe: {  	_ =	strace $0x8000004A;
	s6 =	sadd.s32 s6, s5;
	s7 =	sor.u32 s7, s4  }
0xf: {  	s8 =	sshrl.u32 s8, $0x3;
	s25 =	sshrl.u32 @!p0 s25, $0x3;
	s7 =	sshrl.u32 s7, $0x3  }
0x10: {  	s10 =	sadd.s32 s8, s5;
	s6 =	sadd.s32 $0x6000, s6;
	s7 =	sadd.s32 s7, s5  }
0x11: {  	s4 =	sadd.s32 $0x1FE00, s5;
	s5 =	sadd.s32 $0x16000, s7;
	s7 =	sadd.s32 s31, s2  }
0x12: {  	s9 =	sadd.s32 $0x47000, s10;
	s10 =	smax.u32 s1, $0x1;
	s8 =	sadd.s32 $0x11800, s7  }
0x13: {  	s11 =	sadd.s32 $0x2800, s7;
	s12 =	sadd.s32 $0x5000, s7;
	s13 =	sadd.s32 $0x7800, s7  }
0x14: {  	v0 =	vimm.f32 $0.0e+00;
	s14 =	sadd.s32 $0xA000, s7;
	s15 =	sadd.s32 $0xC800, s7;
	s16 =	sadd.s32 $0xF000, s7  }
.LBB2_1:
0x15: {  	s0 =	simm.s32 $0x80;
	s1 =	simm.s32 $0x400  }
0x16: {  	[tilespmem:s3], [sflag:$0x1] =	stream.strided.gather [hbm4b:s5+s0], $0x2780, s1, s0, $0x38;
	[tilespmem:$0x1F000] =	vst v63  }
0x17: {  	s31 =	simm.s32 $0x200;
	s1 =	simm.s32 $0x0  }
0x18: {  	[tilespmem:s19], [sflag:$0x1] =	stream.linear.gather [hbm4b:s6+s3], $0x3E80, $0x38;
	[tilespmem:$0x1F000] =	vst v63  }
.LBB2_2:
0x19: {  	p1 =	sne.s32 s31, $0x9E00;
	[tilespmem:s1+$0x67F0] =	vst v0  }
0x1a: {  	[tilespmem:s1+$0x6780] =	vst v0  }
0x1b: {  	[tilespmem:s1+$0x6790] =	vst v0  }
.Ltmp0:
0x1c: {  	[tilespmem:s1+$0x67A0] =	vst v0;
	(pc) =	sbr.rel @p1 .LBB2_2-.Ltmp0, $4  }
0x1d: {  	[tilespmem:s1+$0x67B0] =	vst v0  }
0x1e: {  	[tilespmem:s1+$0x67C0] =	vst v0  }
0x1f: {  	[tilespmem:s1+$0x67D0] =	vst v0  }
0x20: {  	[tilespmem:s1+$0x67E0] =	vst v0;
	s1 =	sshra.s32 s31, $0x2;
	s31 =	sadd.s32 $0x200, s31  }
0x21: {  	[tilespmem:s1+$0x67F0] =	vst v0  }
0x22: {  	[tilespmem:s1+$0x6780] =	vst v0  }
0x23: {  	[tilespmem:s1+$0x6790] =	vst v0  }
0x24: {  	[tilespmem:s1+$0x67A0] =	vst v0  }
0x25: {  	[tilespmem:s1+$0x67B0] =	vst v0  }
0x26: {  	[tilespmem:s1+$0x67C0] =	vst v0  }
0x27: {  	[tilespmem:s1+$0x67D0] =	vst v0  }
0x28: {  	[tilespmem:s1+$0x67E0] =	vst v0  }
0x29: {  	[spmem:s7] =	stream.linear.scatter [tilespmem:s20], [sflag:$0x4], $0x2800, $0x38;
	[tilespmem:$0x1F000] =	vst v63  }
0x2a: {  	_ =	swait.ge [sflag:s21], $0x2800  }
0x2b: {  	[sflag:s21] =	ssyncset.done $0x0  }
0x2c: {  	[sflag:s21] =	ssyncadd.s32 $0xFFFFD800  }
0x2d: {  	[spmem:s11] =	stream.linear.scatter [tilespmem:s20], [sflag:$0x4], $0x2800, $0x38;
	[tilespmem:$0x1F000] =	vst v63  }
0x2e: {  	_ =	swait.ge [sflag:s21], $0x2800  }
0x2f: {  	[sflag:s21] =	ssyncset.done $0x0  }
0x30: {  	[sflag:s21] =	ssyncadd.s32 $0xFFFFD800  }
0x31: {  	[spmem:s12] =	stream.linear.scatter [tilespmem:s20], [sflag:$0x4], $0x2800, $0x38;
	[tilespmem:$0x1F000] =	vst v63  }
0x32: {  	_ =	swait.ge [sflag:s21], $0x2800  }
0x33: {  	[sflag:s21] =	ssyncset.done $0x0  }
0x34: {  	[sflag:s21] =	ssyncadd.s32 $0xFFFFD800  }
0x35: {  	[spmem:s13] =	stream.linear.scatter [tilespmem:s20], [sflag:$0x4], $0x2800, $0x38;
	[tilespmem:$0x1F000] =	vst v63  }
0x36: {  	_ =	swait.ge [sflag:s21], $0x2800  }
0x37: {  	[sflag:s21] =	ssyncset.done $0x0  }
0x38: {  	[sflag:s21] =	ssyncadd.s32 $0xFFFFD800  }
0x39: {  	[spmem:s14] =	stream.linear.scatter [tilespmem:s20], [sflag:$0x4], $0x2800, $0x38;
	[tilespmem:$0x1F000] =	vst v63  }
0x3a: {  	_ =	swait.ge [sflag:s21], $0x2800  }
0x3b: {  	[sflag:s21] =	ssyncset.done $0x0  }
0x3c: {  	[sflag:s21] =	ssyncadd.s32 $0xFFFFD800  }
0x3d: {  	[spmem:s15] =	stream.linear.scatter [tilespmem:s20], [sflag:$0x4], $0x2800, $0x38;
	[tilespmem:$0x1F000] =	vst v63  }
0x3e: {  	_ =	swait.ge [sflag:s21], $0x2800  }
0x3f: {  	[sflag:s21] =	ssyncset.done $0x0  }
0x40: {  	[sflag:s21] =	ssyncadd.s32 $0xFFFFD800  }
0x41: {  	[spmem:s16] =	stream.linear.scatter [tilespmem:s20], [sflag:$0x4], $0x2800, $0x38;
	[tilespmem:$0x1F000] =	vst v63  }
0x42: {  	_ =	swait.ge [sflag:s21], $0x2800  }
0x43: {  	[sflag:s21] =	ssyncset.done $0x0  }
0x44: {  	[sflag:s21] =	ssyncadd.s32 $0xFFFFD800  }
0x45: {  	[spmem:s8] =	stream.linear.scatter [tilespmem:s20], [sflag:$0x4], $0x2080, $0x38;
	[tilespmem:$0x1F000] =	vst v63  }
0x46: {  	_ =	swait.ge [sflag:s21], $0x2080  }
0x47: {  	[sflag:s21] =	ssyncset.done $0x0  }
0x48: {  	[sflag:s21] =	ssyncadd.s32 $0xFFFFDF80  }
0x49: {  	_ =	swait.ge [sflag:s22], $0x2780  }
0x4a: {  	[sflag:s22] =	ssyncset.done $0x0  }
0x4b: {  	[sflag:s22] =	ssyncadd.s32 $0xFFFFD880  }
0x4c: {  	_ =	swait.ge [sflag:s22], $0x3E80  }
0x4d: {  	[sflag:s22] =	ssyncset.done $0x0  }
0x4e: {  	[sflag:s22] =	ssyncadd.s32 $0xFFFFC180  }
0x4f: {  	s31 =	simm.s32 $0x50;
	s0 =	simm.s32 $0x0;
	[bflag:$0x0] =	sbarrier.arrive $0xFFFF  }
0x50: {  	[tilespmem:s20], [sflag:$0x2] =	stream.indirect.gather [hbm4b:s4+s31], $0x80, s0, s31, $0xb8;
	[tilespmem:$0x1F000] =	vst v63  }
0x51: {  	_ =	swait.ge [sflag:s23], $0x2800  }
0x52: {  	[sflag:s23] =	ssyncset.done $0x0  }
0x53: {  	[sflag:s23] =	ssyncadd.s32 $0xFFFFD800  }
0x54: {  	[tilespmem:s26], [sflag:$0x3] =	stream.indirect.gather [hbm4b:s4+s24], $0x80, s31, s24, $0xb8;
	[tilespmem:$0x1F000] =	vst v63  }
0x55: {  	s17 =	simm.s32 $0x2780  }
0x56: {  	[spmem:s2] =	stream.indirect.scatter.add.f32 [tilespmem:s20], [sflag:$0x4], $0x80, s17, s24, $0xb8;
	[tilespmem:$0x1F000] =	vst v63  }
0x57: {  	_ =	swait.ge [sflag:s21], $0x2800  }
0x58: {  	[sflag:s21] =	ssyncset.done $0x0  }
0x59: {  	[sflag:s21] =	ssyncadd.s32 $0xFFFFD800  }
0x5a: {  	_ =	swait.ge [sflag:s28], $0x2800  }
0x5b: {  	[sflag:s28] =	ssyncset.done $0x0  }
0x5c: {  	s0 =	simm.s32 $0xA0;
	[sflag:s28] =	ssyncadd.s32 $0xFFFFD800  }
0x5d: {  	[tilespmem:s20], [sflag:$0x2] =	stream.indirect.gather [hbm4b:s4+s24], $0x80, s0, s24, $0xb8;
	[tilespmem:$0x1F000] =	vst v63  }
0x5e: {  	s17 =	simm.s32 $0x2800  }
0x5f: {  	[spmem:s2] =	stream.indirect.scatter.add.f32 [tilespmem:s26], [sflag:$0x4], $0x80, s17, s24, $0xb8;
	[tilespmem:$0x1F000] =	vst v63  }
0x60: {  	_ =	swait.ge [sflag:s21], $0x2800  }
0x61: {  	s1 =	simm.s32 $0x400;
	[sflag:s21] =	ssyncset.done $0x0  }
.LBB2_4:
0x62: {  	p1 =	sne.s32 s1, $0xF400;
	[sflag:s21] =	ssyncadd.s32 $0xFFFFD800;
	s31 =	sadd.s32 $0xA0, s31  }
0x63: {  	s0 =	smov.u32 s1;
	s1 =	sadd.s32 $0x400, s1  }
0x64: {  	_ =	swait.ge [sflag:s23], $0x2800  }
0x65: {  	[sflag:s23] =	ssyncset.done $0x0  }
0x66: {  	s0 =	sshra.s32 s0, $0x2;
	[sflag:s23] =	ssyncadd.s32 $0xFFFFD800  }
0x67: {  	[tilespmem:s26], [sflag:$0x3] =	stream.indirect.gather [hbm4b:s4+s24], $0x80, s31, s24, $0xb8;
	[tilespmem:$0x1F000] =	vst v63  }
0x68: {  	s17 =	sadd.s32 $0x2780, s0  }
0x69: {  	[spmem:s2] =	stream.indirect.scatter.add.f32 [tilespmem:s20], [sflag:$0x4], $0x80, s17, s24, $0xb8;
	[tilespmem:$0x1F000] =	vst v63  }
0x6a: {  	_ =	swait.ge [sflag:s21], $0x2800  }
0x6b: {  	[sflag:s21] =	ssyncset.done $0x0  }
0x6c: {  	[sflag:s21] =	ssyncadd.s32 $0xFFFFD800  }
0x6d: {  	_ =	swait.ge [sflag:s28], $0x2800  }
0x6e: {  	[sflag:s28] =	ssyncset.done $0x0  }
0x6f: {  	s17 =	sadd.s32 $0x50, s31;
	[sflag:s28] =	ssyncadd.s32 $0xFFFFD800  }
0x70: {  	[tilespmem:s20], [sflag:$0x2] =	stream.indirect.gather [hbm4b:s4+s24], $0x80, s17, s24, $0xb8;
	[tilespmem:$0x1F000] =	vst v63  }
.Ltmp1:
0x71: {  	_ = 	snop;
	(pc) =	sbr.rel @p1 .LBB2_4-.Ltmp1, $4  }
0x72: {  	s0 =	sadd.s32 $0x2800, s0  }
0x73: {  	[spmem:s2] =	stream.indirect.scatter.add.f32 [tilespmem:s26], [sflag:$0x4], $0x80, s0, s24, $0xb8;
	[tilespmem:$0x1F000] =	vst v63  }
0x74: {  	_ =	swait.ge [sflag:s21], $0x2800  }
0x75: {  	[sflag:s21] =	ssyncset.done $0x0  }
0x76: {  	[sflag:s21] =	ssyncadd.s32 $0xFFFFD800  }
0x77: {  	_ =	swait.ge [sflag:s23], $0x2800  }
0x78: {  	[sflag:s23] =	ssyncset.done $0x0  }
0x79: {  	[sflag:s23] =	ssyncadd.s32 $0xFFFFD800  }
0x7a: {  	[spmem:s2] =	stream.indirect.scatter.add.f32 [tilespmem:s20], [sflag:$0x4], $0x80, s29, s24, $0xb8;
	[tilespmem:$0x1F000] =	vst v63  }
0x7b: {  	_ =	swait.ge [sflag:s21], $0x2800  }
0x7c: {  	[sflag:s21] =	ssyncset.done $0x0  }
0x7d: {  	s0 =	sshll.u32 @!p0 s18, $0x6;
	s30 =	sadd.s32 $0x1, s30;
	[sflag:s21] =	ssyncadd.s32 $0xFFFFD800  }
0x7e: {  	s0 =	sor.u32 @!p0 $0x1C04, s0;
	p1 =	sne.s32 s30, s10;
	[bflag:$0x0] =	sbarrier.arrive $0xFFFF  }
0x7f: {  	[hbm:s9], [sflag:s0] =	dma.local @!p0 [spmem:s25], $0x3E80  }
.Ltmp2:
0x80: {  	_ = 	snop;
	(pc) =	sbr.rel @p1 .LBB2_1-.Ltmp2, $4  }
0x81: {  	s0 =	simm.s32 @!p0 $0x4  }
0x82: {  	_ =	swait.ge @!p0 [sflag:s0], $0x3E80  }
0x83: {  	[sflag:s0] =	ssyncset.done @!p0 $0x0  }
0x84: {  	[sflag:s0] =	ssyncadd.s32 @!p0 $0xFFFFC180  }
0x85: {  	_ =	sfence.sel $0x180000  }
0x86: {  	[bflag:$0x0] =	sbarrier.arrive $0xFFFF  }
0x87: {  	_ =	strace $0x9000004A  }
0x88: {  	[bflag:$0x2] =	sbarrier.arrive $0xFFFF  }
0x89: {  	p0 =	sne.s32 s18, $0x0;
	s0 =	rddreg [dreg:$0x2]  }
0x8a: {  	s0 =	sadd.s32 @!p0 $0x100000, s0  }
0x8b: {  	[sflag:s0] =	ssyncadd.tile.s32 @!p0 $0x1;
	_ =	shalt  }
.Lfunc_end2:
_tile_overlayer_lowered:
.L_overlay_start_2:
0x8c: {  	(tag) =	ssettag $0x2  }
0x8d: {  	s0 =	rddreg [dreg:$0x0];
	s2 =	stileid.u32  }
0x8e: {  	s1 =	rddreg [dreg:$0x1];
	p0 =	sne.s32 s2, $0x0  }
0x8f: {  	s3 =	rddreg [dreg:$0x2];
	[bflag:$0x3] =	sbarrier.arrive $0xFFFF;
	s2 =	simm.s32 @!p0 $0x1C04  }
0x90: {  	[timem:s3], [sflag:s2] =	dma.local @!p0 [hbm:s0], s1  }
0x91: {  	s0 =	simm.s32 @!p0 $0x4  }
0x92: {  	_ =	swait.ge @!p0 [sflag:s0], s1  }
0x93: {  	s1 =	ssub.s32 @!p0 $0x0, s1;
	[sflag:s0] =	ssyncset.done @!p0 $0x0  }
0x94: {  	[sflag:s0] =	ssyncadd.s32 @!p0 s1  }
0x95: {  	[bflag:$0x3] =	sbarrier.arrive $0xFFFF  }
0x96: {  	_ =	shalt  }

// kernel: kernel.14.cloned.1.call-start
scs
__scs_entry_jumppad:
0x0: {  	(pc) =	sbr.rel $0x88, $3  }
0x1: {  	(tag) =	ssettag $0x0;
	lr =	simm.s32 $0x1  }
0x2: {  	[smem:$0x3F82] =	sst lr;
	_ =	strace $0xD0000000  }
0x3: {  	_ = 	snop  }
0x4: {  	_ = 	snop  }
0x5: {  	_ = 	snop  }
0x6: {  	_ = 	snop  }
0x7: {  	_ = 	snop  }
__scs_overlays_trampoline_lowered:
0x8: {  	[smem:$0x3F91] =	sst s0  }
0x9: {  	[smem:$0x3F92] =	sst s1  }
0xa: {  	[smem:$0x3F93] =	sst s2  }
0xb: {  	[smem:$0x3F94] =	sst s3  }
0xc: {  	[smem:$0x3F95] =	sst s4  }
0xd: {  	[smem:$0x3F96] =	sst s5  }
0xe: {  	[smem:$0x3F97] =	sst s6  }
0xf: {  	[smem:$0x3F98] =	sst s7  }
0x10: {  	[smem:$0x3F99] =	sst s8  }
0x11: {  	[smem:$0x3F9A] =	sst s9;
	s0 =	simm.s32 @!p0 $0x0  }
0x12: {  	s1 =	sld [smem:$0x3F80];
	s0 =	simm.s32 @p0 $0x1  }
0x13: {  	[smem:$0x3F9B] =	sst s0;
	s0 =	simm.s32 @!p1 $0x0  }
0x14: {  	s2 =	sld [smem:$0x3F7F];
	s0 =	simm.s32 @p1 $0x1  }
0x15: {  	[smem:$0x3F9C] =	sst s0;
	s0 =	simm.s32 @!p2 $0x0  }
0x16: {  	s3 =	sld [smem:$0x3FDB];
	s0 =	simm.s32 @p2 $0x1  }
0x17: {  	s4 =	simm.s32 $0x1BF5;
	[smem:$0x3F9E] =	sst s0  }
0x18: {  	s0 =	sld [smem:$0x3F81];
	_ =	swait.ge [sflag:s4], $0x0  }
0x19: {  	s7 =	sld [smem:$0x3F82]  }
0x1a: {  	s8 =	sadd.s32 $0xFFFFE003, lr  }
0x1b: {  	s9 =	sadd.s32 $0xFFFFFEF7, lr;
	s5 =	simm.s32 $0xFFFFFFFF;
	p2 =	slt.u32 s8, $0xFFFFF086  }
0x1c: {  	p1 =	slt.u32 s9, $0xF7A;
	s5 =	simm.s32 @!p2 $0x0  }
0x1d: {  	s5 =	simm.s32 @p1 $0x1;
	p0 =	seq.s32 s7, s2  }
0x1e: {  	s7 =	smul.u32 @!p0 $0xF7A, s2;
	p2 =	seq.s32 @!p0 s5, $0x0  }
0x1f: {  	s9 =	smul.u32 $0xF7A, s1;
	s8 =	simm.s32 @!p0 $0x1BF5;
	p2 =	por !p2, p0  }
0x20: {  	[sflag:s8] =	ssyncset.s32 @!p0 $0xFFFFF086;
	s6 =	sadd.s32 @!p0 s3, s7;
	s7 =	simm.s32 @!p0 $0x108  }
0x21: {  	s3 =	sadd.s32 s3, s9;
	s6 =	sadd.s32 @!p0 $0x88, s6;
	s7 =	simm.s32 @p2 $0x1082  }
0x22: {  	[simem:s7], [sflag:s8] =	dma.local @!p0 [hbm:s6], $0xF7A  }
0x23: {  	s9 =	sor.u32 $0xD0000000, s2;
	s6 =	simm.s32 $0x108;
	_ =	swait.ge @!p0 [sflag:s8], $0x0  }
0x24: {  	s3 =	sadd.s32 $0x88, s3;
	s6 =	simm.s32 @!p1 $0x1082;
	[sflag:s4] =	ssyncset.s32 $0xFFFFF086  }
0x25: {  	[simem:s6], [sflag:s4] =	dma.local [hbm:s3], $0xF7A  }
0x26: {  	[smem:$0x3F82] =	sst s1;
	(tag) =	ssettag s2;
	_ =	strace s9  }
0x27: {  	s1 =	sld [smem:$0x3F92]  }
0x28: {  	s2 =	sld [smem:$0x3F93]  }
0x29: {  	s4 =	sld [smem:$0x3F95]  }
0x2a: {  	p0 =	seq.s32 s5, $0x0;
	s5 =	sld [smem:$0x3F96]  }
0x2b: {  	s6 =	sld [smem:$0x3F97]  }
0x2c: {  	s7 =	sld [smem:$0x3F98]  }
0x2d: {  	s3 =	simm.s32 $0x108;
	s8 =	sld [smem:$0x3F99]  }
0x2e: {  	s3 =	simm.s32 @!p0 $0x1082;
	s9 =	sld [smem:$0x3F9A]  }
0x2f: {  	lr =	sadd.s32 s0, s3;
	s0 =	sld [smem:$0x3F91]  }
0x30: {  	s3 =	sld [smem:$0x3F94]  }
0x31: {  	[smem:$0x3F9D] =	sst s10  }
0x32: {  	s10 =	sld [smem:$0x3F9B];
	_ =	sdelay $0x3  }
0x33: {  	p0 =	seq.s32 s10, $0x1;
	s10 =	sld [smem:$0x3F9D];
	_ =	sdelay $0x3  }
0x34: {  	[smem:$0x3F9D] =	sst s10  }
0x35: {  	s10 =	sld [smem:$0x3F9C];
	_ =	sdelay $0x3  }
0x36: {  	p1 =	seq.s32 s10, $0x1;
	s10 =	sld [smem:$0x3F9D];
	_ =	sdelay $0x3  }
0x37: {  	[smem:$0x3F9D] =	sst s10  }
0x38: {  	s10 =	sld [smem:$0x3F9E]  }
0x39: {  	_ = 	snop;
	(pc) =	sbr.ind lr, $3  }
0x3a: {  	_ = 	snop  }
0x3b: {  	_ = 	snop  }
0x3c: {  	p2 =	seq.s32 s10, $0x1;
	s10 =	sld [smem:$0x3F9D]  }
0x3d: {  	_ =	shalt  }
0x3e: {  	_ =	shalt  }
0x3f: {  	_ =	shalt  }
0x40: {  	_ =	shalt  }
0x41: {  	_ =	shalt  }
0x42: {  	_ =	shalt  }
0x43: {  	_ =	shalt  }
0x44: {  	_ =	shalt  }
0x45: {  	_ =	shalt  }
0x46: {  	_ =	shalt  }
0x47: {  	_ =	shalt  }
0x48: {  	_ =	shalt  }
0x49: {  	_ =	shalt  }
0x4a: {  	_ =	shalt  }
0x4b: {  	_ =	shalt  }
0x4c: {  	_ =	shalt  }
0x4d: {  	_ =	shalt  }
0x4e: {  	_ =	shalt  }
0x4f: {  	_ =	shalt  }
0x50: {  	_ =	shalt  }
0x51: {  	_ =	shalt  }
0x52: {  	_ =	shalt  }
0x53: {  	_ =	shalt  }
0x54: {  	_ =	shalt  }
0x55: {  	_ =	shalt  }
0x56: {  	_ =	shalt  }
0x57: {  	_ =	shalt  }
0x58: {  	_ =	shalt  }
0x59: {  	_ =	shalt  }
0x5a: {  	_ =	shalt  }
0x5b: {  	_ =	shalt  }
0x5c: {  	_ =	shalt  }
0x5d: {  	_ =	shalt  }
0x5e: {  	_ =	shalt  }
0x5f: {  	_ =	shalt  }
0x60: {  	_ =	shalt  }
0x61: {  	_ =	shalt  }
0x62: {  	_ =	shalt  }
0x63: {  	_ =	shalt  }
0x64: {  	_ =	shalt  }
0x65: {  	_ =	shalt  }
0x66: {  	_ =	shalt  }
0x67: {  	_ =	shalt  }
0x68: {  	_ =	shalt  }
0x69: {  	_ =	shalt  }
0x6a: {  	_ =	shalt  }
0x6b: {  	_ =	shalt  }
0x6c: {  	_ =	shalt  }
0x6d: {  	_ =	shalt  }
0x6e: {  	_ =	shalt  }
0x6f: {  	_ =	shalt  }
0x70: {  	_ =	shalt  }
0x71: {  	_ =	shalt  }
0x72: {  	_ =	shalt  }
0x73: {  	_ =	shalt  }
0x74: {  	_ =	shalt  }
0x75: {  	_ =	shalt  }
0x76: {  	_ =	shalt  }
0x77: {  	_ =	shalt  }
0x78: {  	_ =	shalt  }
0x79: {  	_ =	shalt  }
0x7a: {  	_ =	shalt  }
0x7b: {  	_ =	shalt  }
0x7c: {  	_ =	shalt  }
0x7d: {  	_ =	shalt  }
0x7e: {  	_ =	shalt  }
0x7f: {  	_ =	shalt  }
0x80: {  	_ =	shalt  }
0x81: {  	_ =	shalt  }
0x82: {  	_ =	shalt  }
0x83: {  	_ =	shalt  }
0x84: {  	_ =	shalt  }
0x85: {  	_ =	shalt  }
0x86: {  	_ =	shalt  }
0x87: {  	_ =	shalt  }
.Lfunc_end0:
.L_simem_size_0:
called_computation.2_lowered:
.L_overlay_start_0:
0x88: {  	s2 =	sld [smem:$0x3FD9]  }
0x89: {  	s3 =	sld [smem:$0x3FFE];
	_ =	sdelay $0x1  }
0x8a: {  	s1 =	srdreg.scid  }
0x8b: {  	s0 =	sand.u32 $0x1, s1  }
0x8c: {  	s16 =	sshll.u32 s0, $0xA;
	s2 =	sadd.s32 s3, s2  }
0x8d: {  	s2 =	sadd.s32 s2, s16  }
0x8e: {  	[smem:$0x3FA9] =	sst s2  }
0x8f: {  	_ = 	snop  }
0x90: {  	(tm) =	ssettm $0x1  }
0x91: {  	s17 =	sld [smem:$0x3FFB];
	_ =	sdelay $0x3  }
0x92: {  	_ =	strace s17  }
0x93: {  	s2 =	sld [smem:$0x3FFC];
	_ =	sdelay $0x3  }
0x94: {  	_ =	strace s2  }
0x95: {  	s2 =	sld [smem:$0x3FFD];
	_ =	sdelay $0x3  }
0x96: {  	_ =	strace s2  }
0x97: {  	_ =	strace $0x8FFFFFFF  }
0x98: {  	s18 =	sld [smem:$0x3FDB];
	_ =	sdelay $0x1  }
0x99: {  	s19 =	simm.s32 $_scs_section_size  }
0x9a: {  	s4 =	simm.s32 $_size__tile_overlayer_lowered;
	s5 =	simm.s32 $_tile_overlayer_lowered  }
0x9b: {  	s22 =	simm.s32 $0x1BFF;
	s21 =	sshll.u32 s5, $0x1;
	s2 =	sadd.s32 s19, s18  }
0x9c: {  	s6 =	simm.s32 $0x0;
	s20 =	sshll.u32 s4, $0x1;
	s4 =	sadd.s32 s21, s2  }
0x9d: {  	[timem:s6], [sflag:s22] =	dma.local [hbm:s4], s20  }
0x9e: {  	_ =	swait.ge [sflag:s22], s20  }
0x9f: {  	s3 =	ssub.s32 $0x0, s20;
	[sflag:s22] =	ssyncset.done $0x0  }
0xa0: {  	[sflag:s22] =	ssyncadd.s32 s3;
	_ =	sdelay $0x1  }
0xa1: {  	s23 =	simm.s32 $0x1B8B  }
0xa2: {  	_ =	swait.ge [sflag:s23], $0x1  }
0xa3: {  	[sflag:s23] =	ssyncset.done $0x0  }
0xa4: {  	s25 =	simm.s32 $0x1B8E;
	s24 =	sld [smem:$0x3FFE];
	[sflag:s23] =	ssyncadd.s32 $0xFFFFFFFF  }
0xa5: {  	s26 =	simm.s32 $execute0_lowered;
	[smem:$0x3FD2] =	sst s25  }
0xa6: {  	s4 =	sshll.u32 s26, $0x1;
	_ =	strace $0x8000004C;
	[dreg:$0x1] =	wrdreg $0xFFFFFFFF  }
0xa7: {  	s28 =	simm.s32 $_size_execute0_lowered;
	s2 =	sadd.s32 s2, s4;
	[dreg:$0x0] =	wrdreg $0x0  }
0xa8: {  	s4 =	sshll.u32 s28, $0x1;
	[dreg:$0x2] =	wrdreg s2  }
0xa9: {  	[dreg:$0x3] =	wrdreg s4  }
0xaa: {  	[dreg:$0x4] =	wrdreg $0xC0  }
0xab: {  	_ =	task [dreg:s6], $0x5FFFF  }
0xac: {  	[dreg:$0x1] =	wrdreg $0xFFFFFFFF  }
0xad: {  	[dreg:$0x0] =	wrdreg $0x60  }
0xae: {  	[dreg:$0x2] =	wrdreg s24  }
0xaf: {  	[dreg:$0x3] =	wrdreg $0xB7800  }
0xb0: {  	[dreg:$0x4] =	wrdreg $0x9  }
0xb1: {  	_ =	task.clear_ibuf [dreg:s6], $0x5FFFF;
	_ =	strace $0x9000004C  }
0xb2: {  	s29 =	simm.s32 $0x9;
	_ =	strace $0x8000004E  }
0xb3: {  	_ =	swait.ge [sflag:s29], $0x1  }
0xb4: {  	[sflag:s29] =	ssyncadd.s32 $0xFFFFFFFF  }
0xb5: {  	_ =	strace $0x9000004E  }
0xb6: {  	_ =	sfence  }
0xb7: {  	s30 =	sld [smem:$0x0];
	_ =	sdelay $0x2  }
0xb8: {  	s31 =	sshll.u32 s1, $0xD;
	s1 =	sshrl.u32 s1, $0x2  }
0xb9: {  	s3 =	sand.u32 $0x4000, s31;
	s1 =	sadd.s32 s1, s30  }
0xba: {  	s0 =	sor.u32 s3, s0;
	s1 =	sshll.u32 s1, $0x11  }
0xbb: {  	s0 =	sor.u32 s1, s0  }
0xbc: {  	s0 =	sadd.s32 $0x8F2B, s0  }
0xbd: {  	[sflag:s0] =	ssyncadd.remote.s32 $0x1  }
0xbe: {  	_ =	sfence.sel $0xFFFF  }
0xbf: {  	[dreg:$0x0] =	wrdreg $0xFFFFFFFF;
	(pc) =	sbr.abs _section_cstart, $3  }
0xc0: {  	[dreg:$0x1] =	wrdreg $0xFFFFFFFF  }
0xc1: {  	_ =	task.clear_ibuf [dreg:s6], $0x2FFFF;
	_ =	strace $0x9FFFFFFF  }
0xc2: {  	(tm) =	ssettm $0x7FFFFFFF  }
0xc3: {  	_ =	shalt  }
tec
execute0_lowered:
.L_overlay_start_1:
0x0: {  	(tag) =	ssettag $0x1  }
0x1: {  	s0 =	srdreg.scid;
	s5 =	rddreg [dreg:$0x0]  }
0x2: {  	s17 =	stileid.u32;
	s2 =	rddreg [dreg:$0x1]  }
0x3: {  	s19 =	simm.s32 $0x2780;
	s20 =	simm.s32 $0x6780;
	s21 =	simm.s32 $0x4  }
0x4: {  	s22 =	simm.s32 $0x1;
	s23 =	simm.s32 $0x2;
	s18 =	stileid.u32  }
0x5: {  	s28 =	simm.s32 $0x3;
	s29 =	simm.s32 $0x6580;
	s9 =	smul.u32 $0x1F400, s17  }
0x6: {  	s30 =	simm.s32 $0x0;
	s1 =	sand.u32 $0x1, s0;
	s24 =	smul.u32 $0x4E200, s17  }
0x7: {  	s7 =	sshll.u32 s17, $0x7;
	s26 =	smul.u32 $0x7D000, s17;
	p0 =	sgt.u32 s17, $0x9  }
0x8: {  	s3 =	sshll.u32 s1, $0x4;
	s7 =	sand.u32 $0x380, s7;
	s8 =	smul.u32 $0x138800, s1  }
0x9: {  	s1 =	ssub.s32 $0x2, s1;
	s6 =	sor.u32 s17, s3;
	s3 =	simm.s32 $0x0  }
0xa: {  	s25 =	sshrl.u32 s1, $0x1;
	s31 =	sshrl.u32 s24, $0x2;
	s11 =	sshrl.u32 s26, $0x2  }
0xb: {  	s24 =	simm.s32 $0x50;
	s26 =	simm.s32 $0x8F80;
	s4 =	sshrl.u32 s6, $0x3  }
0xc: {  	[smem:$0x7FF] =	sst s3;
	s6 =	sshll.u32 s6, $0xB;
	s4 =	smul.u32 $0x13C00, s4  }
0xd: {  	s8 =	sadd.s32 s9, s8;
	s1 =	ssub.s32 s1, s25;
	s25 =	sadd.s32 s11, s2  }
0xe: {  	_ =	strace $0x8000004D;
	s6 =	sadd.s32 s6, s5;
	s7 =	sor.u32 s7, s4  }
0xf: {  	s8 =	sshrl.u32 s8, $0x3;
	s25 =	sshrl.u32 @!p0 s25, $0x3;
	s7 =	sshrl.u32 s7, $0x3  }
0x10: {  	s10 =	sadd.s32 s8, s5;
	s6 =	sadd.s32 $0x6000, s6;
	s7 =	sadd.s32 s7, s5  }
0x11: {  	s4 =	sadd.s32 $0x1FE00, s5;
	s5 =	sadd.s32 $0x16000, s7;
	s7 =	sadd.s32 s31, s2  }
0x12: {  	s9 =	sadd.s32 $0x47000, s10;
	s10 =	smax.u32 s1, $0x1;
	s8 =	sadd.s32 $0x11800, s7  }
0x13: {  	s11 =	sadd.s32 $0x2800, s7;
	s12 =	sadd.s32 $0x5000, s7;
	s13 =	sadd.s32 $0x7800, s7  }
0x14: {  	v0 =	vimm.f32 $0.0e+00;
	s14 =	sadd.s32 $0xA000, s7;
	s15 =	sadd.s32 $0xC800, s7;
	s16 =	sadd.s32 $0xF000, s7  }
.LBB2_1:
0x15: {  	s0 =	simm.s32 $0x80;
	s1 =	simm.s32 $0x400  }
0x16: {  	[tilespmem:s3], [sflag:$0x1] =	stream.strided.gather [hbm4b:s5+s0], $0x2780, s1, s0, $0x38;
	[tilespmem:$0x1F000] =	vst v63  }
0x17: {  	s31 =	simm.s32 $0x200;
	s1 =	simm.s32 $0x0  }
0x18: {  	[tilespmem:s19], [sflag:$0x1] =	stream.linear.gather [hbm4b:s6+s3], $0x3E80, $0x38;
	[tilespmem:$0x1F000] =	vst v63  }
.LBB2_2:
0x19: {  	p1 =	sne.s32 s31, $0x9E00;
	[tilespmem:s1+$0x67F0] =	vst v0  }
0x1a: {  	[tilespmem:s1+$0x6780] =	vst v0  }
0x1b: {  	[tilespmem:s1+$0x6790] =	vst v0  }
.Ltmp0:
0x1c: {  	[tilespmem:s1+$0x67A0] =	vst v0;
	(pc) =	sbr.rel @p1 .LBB2_2-.Ltmp0, $4  }
0x1d: {  	[tilespmem:s1+$0x67B0] =	vst v0  }
0x1e: {  	[tilespmem:s1+$0x67C0] =	vst v0  }
0x1f: {  	[tilespmem:s1+$0x67D0] =	vst v0  }
0x20: {  	[tilespmem:s1+$0x67E0] =	vst v0;
	s1 =	sshra.s32 s31, $0x2;
	s31 =	sadd.s32 $0x200, s31  }
0x21: {  	[tilespmem:s1+$0x67F0] =	vst v0  }
0x22: {  	[tilespmem:s1+$0x6780] =	vst v0  }
0x23: {  	[tilespmem:s1+$0x6790] =	vst v0  }
0x24: {  	[tilespmem:s1+$0x67A0] =	vst v0  }
0x25: {  	[tilespmem:s1+$0x67B0] =	vst v0  }
0x26: {  	[tilespmem:s1+$0x67C0] =	vst v0  }
0x27: {  	[tilespmem:s1+$0x67D0] =	vst v0  }
0x28: {  	[tilespmem:s1+$0x67E0] =	vst v0  }
0x29: {  	[spmem:s7] =	stream.linear.scatter [tilespmem:s20], [sflag:$0x4], $0x2800, $0x38;
	[tilespmem:$0x1F000] =	vst v63  }
0x2a: {  	_ =	swait.ge [sflag:s21], $0x2800  }
0x2b: {  	[sflag:s21] =	ssyncset.done $0x0  }
0x2c: {  	[sflag:s21] =	ssyncadd.s32 $0xFFFFD800  }
0x2d: {  	[spmem:s11] =	stream.linear.scatter [tilespmem:s20], [sflag:$0x4], $0x2800, $0x38;
	[tilespmem:$0x1F000] =	vst v63  }
0x2e: {  	_ =	swait.ge [sflag:s21], $0x2800  }
0x2f: {  	[sflag:s21] =	ssyncset.done $0x0  }
0x30: {  	[sflag:s21] =	ssyncadd.s32 $0xFFFFD800  }
0x31: {  	[spmem:s12] =	stream.linear.scatter [tilespmem:s20], [sflag:$0x4], $0x2800, $0x38;
	[tilespmem:$0x1F000] =	vst v63  }
0x32: {  	_ =	swait.ge [sflag:s21], $0x2800  }
0x33: {  	[sflag:s21] =	ssyncset.done $0x0  }
0x34: {  	[sflag:s21] =	ssyncadd.s32 $0xFFFFD800  }
0x35: {  	[spmem:s13] =	stream.linear.scatter [tilespmem:s20], [sflag:$0x4], $0x2800, $0x38;
	[tilespmem:$0x1F000] =	vst v63  }
0x36: {  	_ =	swait.ge [sflag:s21], $0x2800  }
0x37: {  	[sflag:s21] =	ssyncset.done $0x0  }
0x38: {  	[sflag:s21] =	ssyncadd.s32 $0xFFFFD800  }
0x39: {  	[spmem:s14] =	stream.linear.scatter [tilespmem:s20], [sflag:$0x4], $0x2800, $0x38;
	[tilespmem:$0x1F000] =	vst v63  }
0x3a: {  	_ =	swait.ge [sflag:s21], $0x2800  }
0x3b: {  	[sflag:s21] =	ssyncset.done $0x0  }
0x3c: {  	[sflag:s21] =	ssyncadd.s32 $0xFFFFD800  }
0x3d: {  	[spmem:s15] =	stream.linear.scatter [tilespmem:s20], [sflag:$0x4], $0x2800, $0x38;
	[tilespmem:$0x1F000] =	vst v63  }
0x3e: {  	_ =	swait.ge [sflag:s21], $0x2800  }
0x3f: {  	[sflag:s21] =	ssyncset.done $0x0  }
0x40: {  	[sflag:s21] =	ssyncadd.s32 $0xFFFFD800  }
0x41: {  	[spmem:s16] =	stream.linear.scatter [tilespmem:s20], [sflag:$0x4], $0x2800, $0x38;
	[tilespmem:$0x1F000] =	vst v63  }
0x42: {  	_ =	swait.ge [sflag:s21], $0x2800  }
0x43: {  	[sflag:s21] =	ssyncset.done $0x0  }
0x44: {  	[sflag:s21] =	ssyncadd.s32 $0xFFFFD800  }
0x45: {  	[spmem:s8] =	stream.linear.scatter [tilespmem:s20], [sflag:$0x4], $0x2080, $0x38;
	[tilespmem:$0x1F000] =	vst v63  }
0x46: {  	_ =	swait.ge [sflag:s21], $0x2080  }
0x47: {  	[sflag:s21] =	ssyncset.done $0x0  }
0x48: {  	[sflag:s21] =	ssyncadd.s32 $0xFFFFDF80  }
0x49: {  	_ =	swait.ge [sflag:s22], $0x2780  }
0x4a: {  	[sflag:s22] =	ssyncset.done $0x0  }
0x4b: {  	[sflag:s22] =	ssyncadd.s32 $0xFFFFD880  }
0x4c: {  	_ =	swait.ge [sflag:s22], $0x3E80  }
0x4d: {  	[sflag:s22] =	ssyncset.done $0x0  }
0x4e: {  	[sflag:s22] =	ssyncadd.s32 $0xFFFFC180  }
0x4f: {  	s31 =	simm.s32 $0x50;
	s0 =	simm.s32 $0x0;
	[bflag:$0x0] =	sbarrier.arrive $0xFFFF  }
0x50: {  	[tilespmem:s20], [sflag:$0x2] =	stream.indirect.gather [hbm4b:s4+s31], $0x80, s0, s31, $0xb8;
	[tilespmem:$0x1F000] =	vst v63  }
0x51: {  	_ =	swait.ge [sflag:s23], $0x2800  }
0x52: {  	[sflag:s23] =	ssyncset.done $0x0  }
0x53: {  	[sflag:s23] =	ssyncadd.s32 $0xFFFFD800  }
0x54: {  	[tilespmem:s26], [sflag:$0x3] =	stream.indirect.gather [hbm4b:s4+s24], $0x80, s31, s24, $0xb8;
	[tilespmem:$0x1F000] =	vst v63  }
0x55: {  	s17 =	simm.s32 $0x2780  }
0x56: {  	[spmem:s2] =	stream.indirect.scatter.add.f32 [tilespmem:s20], [sflag:$0x4], $0x80, s17, s24, $0xb8;
	[tilespmem:$0x1F000] =	vst v63  }
0x57: {  	_ =	swait.ge [sflag:s21], $0x2800  }
0x58: {  	[sflag:s21] =	ssyncset.done $0x0  }
0x59: {  	[sflag:s21] =	ssyncadd.s32 $0xFFFFD800  }
0x5a: {  	_ =	swait.ge [sflag:s28], $0x2800  }
0x5b: {  	[sflag:s28] =	ssyncset.done $0x0  }
0x5c: {  	s0 =	simm.s32 $0xA0;
	[sflag:s28] =	ssyncadd.s32 $0xFFFFD800  }
0x5d: {  	[tilespmem:s20], [sflag:$0x2] =	stream.indirect.gather [hbm4b:s4+s24], $0x80, s0, s24, $0xb8;
	[tilespmem:$0x1F000] =	vst v63  }
0x5e: {  	s17 =	simm.s32 $0x2800  }
0x5f: {  	[spmem:s2] =	stream.indirect.scatter.add.f32 [tilespmem:s26], [sflag:$0x4], $0x80, s17, s24, $0xb8;
	[tilespmem:$0x1F000] =	vst v63  }
0x60: {  	_ =	swait.ge [sflag:s21], $0x2800  }
0x61: {  	s1 =	simm.s32 $0x400;
	[sflag:s21] =	ssyncset.done $0x0  }
.LBB2_4:
0x62: {  	p1 =	sne.s32 s1, $0xF400;
	[sflag:s21] =	ssyncadd.s32 $0xFFFFD800;
	s31 =	sadd.s32 $0xA0, s31  }
0x63: {  	s0 =	smov.u32 s1;
	s1 =	sadd.s32 $0x400, s1  }
0x64: {  	_ =	swait.ge [sflag:s23], $0x2800  }
0x65: {  	[sflag:s23] =	ssyncset.done $0x0  }
0x66: {  	s0 =	sshra.s32 s0, $0x2;
	[sflag:s23] =	ssyncadd.s32 $0xFFFFD800  }
0x67: {  	[tilespmem:s26], [sflag:$0x3] =	stream.indirect.gather [hbm4b:s4+s24], $0x80, s31, s24, $0xb8;
	[tilespmem:$0x1F000] =	vst v63  }
0x68: {  	s17 =	sadd.s32 $0x2780, s0  }
0x69: {  	[spmem:s2] =	stream.indirect.scatter.add.f32 [tilespmem:s20], [sflag:$0x4], $0x80, s17, s24, $0xb8;
	[tilespmem:$0x1F000] =	vst v63  }
0x6a: {  	_ =	swait.ge [sflag:s21], $0x2800  }
0x6b: {  	[sflag:s21] =	ssyncset.done $0x0  }
0x6c: {  	[sflag:s21] =	ssyncadd.s32 $0xFFFFD800  }
0x6d: {  	_ =	swait.ge [sflag:s28], $0x2800  }
0x6e: {  	[sflag:s28] =	ssyncset.done $0x0  }
0x6f: {  	s17 =	sadd.s32 $0x50, s31;
	[sflag:s28] =	ssyncadd.s32 $0xFFFFD800  }
0x70: {  	[tilespmem:s20], [sflag:$0x2] =	stream.indirect.gather [hbm4b:s4+s24], $0x80, s17, s24, $0xb8;
	[tilespmem:$0x1F000] =	vst v63  }
.Ltmp1:
0x71: {  	_ = 	snop;
	(pc) =	sbr.rel @p1 .LBB2_4-.Ltmp1, $4  }
0x72: {  	s0 =	sadd.s32 $0x2800, s0  }
0x73: {  	[spmem:s2] =	stream.indirect.scatter.add.f32 [tilespmem:s26], [sflag:$0x4], $0x80, s0, s24, $0xb8;
	[tilespmem:$0x1F000] =	vst v63  }
0x74: {  	_ =	swait.ge [sflag:s21], $0x2800  }
0x75: {  	[sflag:s21] =	ssyncset.done $0x0  }
0x76: {  	[sflag:s21] =	ssyncadd.s32 $0xFFFFD800  }
0x77: {  	_ =	swait.ge [sflag:s23], $0x2800  }
0x78: {  	[sflag:s23] =	ssyncset.done $0x0  }
0x79: {  	[sflag:s23] =	ssyncadd.s32 $0xFFFFD800  }
0x7a: {  	[spmem:s2] =	stream.indirect.scatter.add.f32 [tilespmem:s20], [sflag:$0x4], $0x80, s29, s24, $0xb8;
	[tilespmem:$0x1F000] =	vst v63  }
0x7b: {  	_ =	swait.ge [sflag:s21], $0x2800  }
0x7c: {  	[sflag:s21] =	ssyncset.done $0x0  }
0x7d: {  	s0 =	sshll.u32 @!p0 s18, $0x6;
	s30 =	sadd.s32 $0x1, s30;
	[sflag:s21] =	ssyncadd.s32 $0xFFFFD800  }
0x7e: {  	s0 =	sor.u32 @!p0 $0x1C04, s0;
	p1 =	sne.s32 s30, s10;
	[bflag:$0x0] =	sbarrier.arrive $0xFFFF  }
0x7f: {  	[hbm:s9], [sflag:s0] =	dma.local @!p0 [spmem:s25], $0x3E80  }
.Ltmp2:
0x80: {  	_ = 	snop;
	(pc) =	sbr.rel @p1 .LBB2_1-.Ltmp2, $4  }
0x81: {  	s0 =	simm.s32 @!p0 $0x4  }
0x82: {  	_ =	swait.ge @!p0 [sflag:s0], $0x3E80  }
0x83: {  	[sflag:s0] =	ssyncset.done @!p0 $0x0  }
0x84: {  	[sflag:s0] =	ssyncadd.s32 @!p0 $0xFFFFC180  }
0x85: {  	_ =	sfence.sel $0x180000  }
0x86: {  	[bflag:$0x0] =	sbarrier.arrive $0xFFFF  }
0x87: {  	_ =	strace $0x9000004D  }
0x88: {  	[bflag:$0x2] =	sbarrier.arrive $0xFFFF  }
0x89: {  	p0 =	sne.s32 s18, $0x0;
	s0 =	rddreg [dreg:$0x2]  }
0x8a: {  	s0 =	sadd.s32 @!p0 $0x100000, s0  }
0x8b: {  	[sflag:s0] =	ssyncadd.tile.s32 @!p0 $0x1;
	_ =	shalt  }
.Lfunc_end2:
_tile_overlayer_lowered:
.L_overlay_start_2:
0x8c: {  	(tag) =	ssettag $0x2  }
0x8d: {  	s0 =	rddreg [dreg:$0x0];
	s2 =	stileid.u32  }
0x8e: {  	s1 =	rddreg [dreg:$0x1];
	p0 =	sne.s32 s2, $0x0  }
0x8f: {  	s3 =	rddreg [dreg:$0x2];
	[bflag:$0x3] =	sbarrier.arrive $0xFFFF;
	s2 =	simm.s32 @!p0 $0x1C04  }
0x90: {  	[timem:s3], [sflag:s2] =	dma.local @!p0 [hbm:s0], s1  }
0x91: {  	s0 =	simm.s32 @!p0 $0x4  }
0x92: {  	_ =	swait.ge @!p0 [sflag:s0], s1  }
0x93: {  	s1 =	ssub.s32 @!p0 $0x0, s1;
	[sflag:s0] =	ssyncset.done @!p0 $0x0  }
0x94: {  	[sflag:s0] =	ssyncadd.s32 @!p0 s1  }
0x95: {  	[bflag:$0x3] =	sbarrier.arrive $0xFFFF  }
0x96: {  	_ =	shalt  }

// kernel: kernel.8.cloned.1.call-start
scs
__scs_entry_jumppad:
0x0: {  	(pc) =	sbr.rel $0x88, $3  }
0x1: {  	(tag) =	ssettag $0x0;
	lr =	simm.s32 $0x1  }
0x2: {  	[smem:$0x3F82] =	sst lr;
	_ =	strace $0xD0000000  }
0x3: {  	_ = 	snop  }
0x4: {  	_ = 	snop  }
0x5: {  	_ = 	snop  }
0x6: {  	_ = 	snop  }
0x7: {  	_ = 	snop  }
__scs_overlays_trampoline_lowered:
0x8: {  	[smem:$0x3F91] =	sst s0  }
0x9: {  	[smem:$0x3F92] =	sst s1  }
0xa: {  	[smem:$0x3F93] =	sst s2  }
0xb: {  	[smem:$0x3F94] =	sst s3  }
0xc: {  	[smem:$0x3F95] =	sst s4  }
0xd: {  	[smem:$0x3F96] =	sst s5  }
0xe: {  	[smem:$0x3F97] =	sst s6  }
0xf: {  	[smem:$0x3F98] =	sst s7  }
0x10: {  	[smem:$0x3F99] =	sst s8  }
0x11: {  	[smem:$0x3F9A] =	sst s9;
	s0 =	simm.s32 @!p0 $0x0  }
0x12: {  	s1 =	sld [smem:$0x3F80];
	s0 =	simm.s32 @p0 $0x1  }
0x13: {  	[smem:$0x3F9B] =	sst s0;
	s0 =	simm.s32 @!p1 $0x0  }
0x14: {  	s2 =	sld [smem:$0x3F7F];
	s0 =	simm.s32 @p1 $0x1  }
0x15: {  	[smem:$0x3F9C] =	sst s0;
	s0 =	simm.s32 @!p2 $0x0  }
0x16: {  	s3 =	sld [smem:$0x3FDB];
	s0 =	simm.s32 @p2 $0x1  }
0x17: {  	s4 =	simm.s32 $0x1BF5;
	[smem:$0x3F9E] =	sst s0  }
0x18: {  	s0 =	sld [smem:$0x3F81];
	_ =	swait.ge [sflag:s4], $0x0  }
0x19: {  	s7 =	sld [smem:$0x3F82]  }
0x1a: {  	s8 =	sadd.s32 $0xFFFFE003, lr  }
0x1b: {  	s9 =	sadd.s32 $0xFFFFFEF7, lr;
	s5 =	simm.s32 $0xFFFFFFFF;
	p2 =	slt.u32 s8, $0xFFFFF086  }
0x1c: {  	p1 =	slt.u32 s9, $0xF7A;
	s5 =	simm.s32 @!p2 $0x0  }
0x1d: {  	s5 =	simm.s32 @p1 $0x1;
	p0 =	seq.s32 s7, s2  }
0x1e: {  	s7 =	smul.u32 @!p0 $0xF7A, s2;
	p2 =	seq.s32 @!p0 s5, $0x0  }
0x1f: {  	s9 =	smul.u32 $0xF7A, s1;
	s8 =	simm.s32 @!p0 $0x1BF5;
	p2 =	por !p2, p0  }
0x20: {  	[sflag:s8] =	ssyncset.s32 @!p0 $0xFFFFF086;
	s6 =	sadd.s32 @!p0 s3, s7;
	s7 =	simm.s32 @!p0 $0x108  }
0x21: {  	s3 =	sadd.s32 s3, s9;
	s6 =	sadd.s32 @!p0 $0x88, s6;
	s7 =	simm.s32 @p2 $0x1082  }
0x22: {  	[simem:s7], [sflag:s8] =	dma.local @!p0 [hbm:s6], $0xF7A  }
0x23: {  	s9 =	sor.u32 $0xD0000000, s2;
	s6 =	simm.s32 $0x108;
	_ =	swait.ge @!p0 [sflag:s8], $0x0  }
0x24: {  	s3 =	sadd.s32 $0x88, s3;
	s6 =	simm.s32 @!p1 $0x1082;
	[sflag:s4] =	ssyncset.s32 $0xFFFFF086  }
0x25: {  	[simem:s6], [sflag:s4] =	dma.local [hbm:s3], $0xF7A  }
0x26: {  	[smem:$0x3F82] =	sst s1;
	(tag) =	ssettag s2;
	_ =	strace s9  }
0x27: {  	s1 =	sld [smem:$0x3F92]  }
0x28: {  	s2 =	sld [smem:$0x3F93]  }
0x29: {  	s4 =	sld [smem:$0x3F95]  }
0x2a: {  	p0 =	seq.s32 s5, $0x0;
	s5 =	sld [smem:$0x3F96]  }
0x2b: {  	s6 =	sld [smem:$0x3F97]  }
0x2c: {  	s7 =	sld [smem:$0x3F98]  }
0x2d: {  	s3 =	simm.s32 $0x108;
	s8 =	sld [smem:$0x3F99]  }
0x2e: {  	s3 =	simm.s32 @!p0 $0x1082;
	s9 =	sld [smem:$0x3F9A]  }
0x2f: {  	lr =	sadd.s32 s0, s3;
	s0 =	sld [smem:$0x3F91]  }
0x30: {  	s3 =	sld [smem:$0x3F94]  }
0x31: {  	[smem:$0x3F9D] =	sst s10  }
0x32: {  	s10 =	sld [smem:$0x3F9B];
	_ =	sdelay $0x3  }
0x33: {  	p0 =	seq.s32 s10, $0x1;
	s10 =	sld [smem:$0x3F9D];
	_ =	sdelay $0x3  }
0x34: {  	[smem:$0x3F9D] =	sst s10  }
0x35: {  	s10 =	sld [smem:$0x3F9C];
	_ =	sdelay $0x3  }
0x36: {  	p1 =	seq.s32 s10, $0x1;
	s10 =	sld [smem:$0x3F9D];
	_ =	sdelay $0x3  }
0x37: {  	[smem:$0x3F9D] =	sst s10  }
0x38: {  	s10 =	sld [smem:$0x3F9E]  }
0x39: {  	_ = 	snop;
	(pc) =	sbr.ind lr, $3  }
0x3a: {  	_ = 	snop  }
0x3b: {  	_ = 	snop  }
0x3c: {  	p2 =	seq.s32 s10, $0x1;
	s10 =	sld [smem:$0x3F9D]  }
0x3d: {  	_ =	shalt  }
0x3e: {  	_ =	shalt  }
0x3f: {  	_ =	shalt  }
0x40: {  	_ =	shalt  }
0x41: {  	_ =	shalt  }
0x42: {  	_ =	shalt  }
0x43: {  	_ =	shalt  }
0x44: {  	_ =	shalt  }
0x45: {  	_ =	shalt  }
0x46: {  	_ =	shalt  }
0x47: {  	_ =	shalt  }
0x48: {  	_ =	shalt  }
0x49: {  	_ =	shalt  }
0x4a: {  	_ =	shalt  }
0x4b: {  	_ =	shalt  }
0x4c: {  	_ =	shalt  }
0x4d: {  	_ =	shalt  }
0x4e: {  	_ =	shalt  }
0x4f: {  	_ =	shalt  }
0x50: {  	_ =	shalt  }
0x51: {  	_ =	shalt  }
0x52: {  	_ =	shalt  }
0x53: {  	_ =	shalt  }
0x54: {  	_ =	shalt  }
0x55: {  	_ =	shalt  }
0x56: {  	_ =	shalt  }
0x57: {  	_ =	shalt  }
0x58: {  	_ =	shalt  }
0x59: {  	_ =	shalt  }
0x5a: {  	_ =	shalt  }
0x5b: {  	_ =	shalt  }
0x5c: {  	_ =	shalt  }
0x5d: {  	_ =	shalt  }
0x5e: {  	_ =	shalt  }
0x5f: {  	_ =	shalt  }
0x60: {  	_ =	shalt  }
0x61: {  	_ =	shalt  }
0x62: {  	_ =	shalt  }
0x63: {  	_ =	shalt  }
0x64: {  	_ =	shalt  }
0x65: {  	_ =	shalt  }
0x66: {  	_ =	shalt  }
0x67: {  	_ =	shalt  }
0x68: {  	_ =	shalt  }
0x69: {  	_ =	shalt  }
0x6a: {  	_ =	shalt  }
0x6b: {  	_ =	shalt  }
0x6c: {  	_ =	shalt  }
0x6d: {  	_ =	shalt  }
0x6e: {  	_ =	shalt  }
0x6f: {  	_ =	shalt  }
0x70: {  	_ =	shalt  }
0x71: {  	_ =	shalt  }
0x72: {  	_ =	shalt  }
0x73: {  	_ =	shalt  }
0x74: {  	_ =	shalt  }
0x75: {  	_ =	shalt  }
0x76: {  	_ =	shalt  }
0x77: {  	_ =	shalt  }
0x78: {  	_ =	shalt  }
0x79: {  	_ =	shalt  }
0x7a: {  	_ =	shalt  }
0x7b: {  	_ =	shalt  }
0x7c: {  	_ =	shalt  }
0x7d: {  	_ =	shalt  }
0x7e: {  	_ =	shalt  }
0x7f: {  	_ =	shalt  }
0x80: {  	_ =	shalt  }
0x81: {  	_ =	shalt  }
0x82: {  	_ =	shalt  }
0x83: {  	_ =	shalt  }
0x84: {  	_ =	shalt  }
0x85: {  	_ =	shalt  }
0x86: {  	_ =	shalt  }
0x87: {  	_ =	shalt  }
.Lfunc_end0:
.L_simem_size_0:
called_computation_lowered:
.L_overlay_start_0:
0x88: {  	s2 =	sld [smem:$0x3FD9]  }
0x89: {  	s3 =	sld [smem:$0x3FFE];
	_ =	sdelay $0x1  }
0x8a: {  	s1 =	srdreg.scid  }
0x8b: {  	s0 =	sand.u32 $0x1, s1  }
0x8c: {  	s17 =	sshll.u32 s0, $0xA;
	s2 =	sadd.s32 s3, s2  }
0x8d: {  	s2 =	sadd.s32 s2, s17  }
0x8e: {  	[smem:$0x3FA9] =	sst s2  }
0x8f: {  	_ = 	snop  }
0x90: {  	s2 =	sld [smem:$0x3FC9];
	(tm) =	ssettm $0x1  }
0x91: {  	s18 =	sld [smem:$0x3FFB];
	_ =	sdelay $0x3  }
0x92: {  	_ =	strace s18  }
0x93: {  	s3 =	sld [smem:$0x3FFC];
	_ =	sdelay $0x3  }
0x94: {  	_ =	strace s3  }
0x95: {  	s3 =	sld [smem:$0x3FFD];
	_ =	sdelay $0x3  }
0x96: {  	_ =	strace s3  }
0x97: {  	_ =	strace $0x8FFFFFFF  }
0x98: {  	s19 =	sld [smem:$0x3FDB];
	_ =	sdelay $0x1  }
0x99: {  	s4 =	simm.s32 $_scs_section_size  }
0x9a: {  	s5 =	simm.s32 $_size__tile_overlayer_lowered;
	s6 =	simm.s32 $_tile_overlayer_lowered  }
0x9b: {  	s22 =	simm.s32 $0x1BFF;
	s21 =	sshll.u32 s6, $0x1;
	s3 =	sadd.s32 s4, s19  }
0x9c: {  	s7 =	simm.s32 $0x0;
	s20 =	sshll.u32 s5, $0x1;
	s5 =	sadd.s32 s21, s3  }
0x9d: {  	[timem:s7], [sflag:s22] =	dma.local [hbm:s5], s20  }
0x9e: {  	_ =	swait.ge [sflag:s22], s20  }
0x9f: {  	s4 =	ssub.s32 $0x0, s20;
	[sflag:s22] =	ssyncset.done $0x0  }
0xa0: {  	[sflag:s22] =	ssyncadd.s32 s4;
	_ =	sdelay $0x1  }
0xa1: {  	s23 =	simm.s32 $0x1B8B  }
0xa2: {  	_ =	swait.ge [sflag:s23], $0x1  }
0xa3: {  	[sflag:s23] =	ssyncset.done $0x0  }
0xa4: {  	s25 =	simm.s32 $0x1B8E;
	s24 =	sld [smem:$0x3FFE];
	[sflag:s23] =	ssyncadd.s32 $0xFFFFFFFF  }
0xa5: {  	s26 =	simm.s32 $execute0_lowered;
	[smem:$0x3FD2] =	sst s25  }
0xa6: {  	s5 =	sshll.u32 s26, $0x1;
	_ =	strace $0x80000046;
	[dreg:$0x1] =	wrdreg $0xFFFFFFFF  }
0xa7: {  	s28 =	simm.s32 $_size_execute0_lowered;
	s3 =	sadd.s32 s3, s5;
	[dreg:$0x0] =	wrdreg $0x0  }
0xa8: {  	s5 =	sshll.u32 s28, $0x1;
	[dreg:$0x2] =	wrdreg s3  }
0xa9: {  	[dreg:$0x3] =	wrdreg s5  }
0xaa: {  	[dreg:$0x4] =	wrdreg $0xC0  }
0xab: {  	_ =	task [dreg:s7], $0x5FFFF  }
0xac: {  	[dreg:$0x1] =	wrdreg $0xFFFFFFFF  }
0xad: {  	[dreg:$0x0] =	wrdreg $0x60  }
0xae: {  	[dreg:$0x2] =	wrdreg s2  }
0xaf: {  	[dreg:$0x3] =	wrdreg s24  }
0xb0: {  	[dreg:$0x4] =	wrdreg $0xB7800  }
0xb1: {  	[dreg:$0x5] =	wrdreg $0x9  }
0xb2: {  	_ =	task.clear_ibuf [dreg:s7], $0x6FFFF;
	_ =	strace $0x90000046  }
0xb3: {  	s29 =	simm.s32 $0x9;
	_ =	strace $0x80000048  }
0xb4: {  	_ =	swait.ge [sflag:s29], $0x1  }
0xb5: {  	[sflag:s29] =	ssyncadd.s32 $0xFFFFFFFF  }
0xb6: {  	_ =	strace $0x90000048  }
0xb7: {  	_ =	sfence  }
0xb8: {  	s30 =	sld [smem:$0x0];
	_ =	sdelay $0x2  }
0xb9: {  	s31 =	sshll.u32 s1, $0xD;
	s1 =	sshrl.u32 s1, $0x2  }
0xba: {  	s3 =	sand.u32 $0x4000, s31;
	s1 =	sadd.s32 s1, s30  }
0xbb: {  	s0 =	sor.u32 s3, s0;
	s1 =	sshll.u32 s1, $0x11  }
0xbc: {  	s0 =	sor.u32 s1, s0  }
0xbd: {  	s0 =	sadd.s32 $0x8F2B, s0  }
0xbe: {  	[sflag:s0] =	ssyncadd.remote.s32 $0x1  }
0xbf: {  	_ =	sfence.sel $0xFFFF  }
0xc0: {  	[dreg:$0x0] =	wrdreg $0xFFFFFFFF;
	(pc) =	sbr.abs _section_cstart, $3  }
0xc1: {  	[dreg:$0x1] =	wrdreg $0xFFFFFFFF  }
0xc2: {  	_ =	task.clear_ibuf [dreg:s7], $0x2FFFF;
	_ =	strace $0x9FFFFFFF  }
0xc3: {  	(tm) =	ssettm $0x7FFFFFFF  }
tec
execute0_lowered:
.L_overlay_start_1:
0x0: {  	(tag) =	ssettag $0x1  }
0x1: {  	s0 =	srdreg.scid;
	s1 =	rddreg [dreg:$0x0]  }
0x2: {  	s17 =	stileid.u32;
	s5 =	rddreg [dreg:$0x1]  }
0x3: {  	s19 =	simm.s32 $0x2780;
	s20 =	simm.s32 $0x6780;
	s21 =	simm.s32 $0x4  }
0x4: {  	s22 =	simm.s32 $0x1;
	s18 =	stileid.u32;
	s28 =	simm.s32 $0x3  }
0x5: {  	s29 =	simm.s32 $0x6580;
	s30 =	simm.s32 $0x0;
	s23 =	smul.u32 $0x1F400, s17  }
0x6: {  	s2 =	sand.u32 $0x1, s0;
	s8 =	sshll.u32 s17, $0x7;
	s24 =	smul.u32 $0x4E200, s17  }
0x7: {  	s26 =	smul.u32 $0x7D000, s17;
	p0 =	sgt.u32 s17, $0x9;
	s3 =	sshll.u32 s2, $0x4  }
0x8: {  	s8 =	sand.u32 $0x380, s8;
	s9 =	smul.u32 $0x138800, s2;
	s2 =	ssub.s32 $0x2, s2  }
0x9: {  	s6 =	sor.u32 s17, s3;
	s3 =	rddreg [dreg:$0x2];
	s25 =	sshrl.u32 s2, $0x1  }
0xa: {  	s31 =	sshrl.u32 s24, $0x2;
	s11 =	sshrl.u32 s26, $0x2;
	s24 =	simm.s32 $0x50  }
0xb: {  	s26 =	simm.s32 $0x8F80;
	s4 =	sshrl.u32 s6, $0x3;
	s6 =	sshll.u32 s6, $0xB  }
0xc: {  	s2 =	ssub.s32 s2, s25;
	s25 =	sadd.s32 s11, s3;
	s7 =	smul.u32 $0x13C00, s4  }
0xd: {  	s4 =	simm.s32 $0x0;
	s6 =	sadd.s32 s6, s5;
	s25 =	sshrl.u32 @!p0 s25, $0x3  }
0xe: {  	[smem:$0x7FF] =	sst s4;
	s6 =	sadd.s32 $0x6000, s6;
	s7 =	sor.u32 s8, s7  }
0xf: {  	_ =	strace $0x80000047;
	s8 =	sadd.s32 s23, s9;
	s7 =	sshrl.u32 s7, $0x3  }
0x10: {  	s23 =	simm.s32 $0x2;
	s8 =	sshrl.u32 s8, $0x3;
	s7 =	sadd.s32 s7, s5  }
0x11: {  	s10 =	sadd.s32 s8, s5;
	s5 =	sadd.s32 $0x16000, s7;
	s7 =	sadd.s32 s31, s3  }
0x12: {  	s9 =	sadd.s32 $0x1FE00, s10;
	s10 =	smax.u32 s2, $0x1;
	s8 =	sadd.s32 $0x11800, s7  }
0x13: {  	s11 =	sadd.s32 $0x2800, s7;
	s12 =	sadd.s32 $0x5000, s7;
	s13 =	sadd.s32 $0x7800, s7  }
0x14: {  	v0 =	vimm.f32 $0.0e+00;
	s14 =	sadd.s32 $0xA000, s7;
	s15 =	sadd.s32 $0xC800, s7;
	s16 =	sadd.s32 $0xF000, s7  }
.LBB2_1:
0x15: {  	s0 =	simm.s32 $0x80;
	s2 =	simm.s32 $0x400  }
0x16: {  	[tilespmem:s4], [sflag:$0x1] =	stream.strided.gather [hbm4b:s5+s0], $0x2780, s2, s0, $0x38;
	[tilespmem:$0x1F000] =	vst v63  }
0x17: {  	s31 =	simm.s32 $0x200;
	s2 =	simm.s32 $0x0  }
0x18: {  	[tilespmem:s19], [sflag:$0x1] =	stream.linear.gather [hbm4b:s6+s4], $0x3E80, $0x38;
	[tilespmem:$0x1F000] =	vst v63  }
.LBB2_2:
0x19: {  	p1 =	sne.s32 s31, $0x9E00;
	[tilespmem:s2+$0x67F0] =	vst v0  }
0x1a: {  	[tilespmem:s2+$0x6780] =	vst v0  }
0x1b: {  	[tilespmem:s2+$0x6790] =	vst v0  }
.Ltmp0:
0x1c: {  	[tilespmem:s2+$0x67A0] =	vst v0;
	(pc) =	sbr.rel @p1 .LBB2_2-.Ltmp0, $4  }
0x1d: {  	[tilespmem:s2+$0x67B0] =	vst v0  }
0x1e: {  	[tilespmem:s2+$0x67C0] =	vst v0  }
0x1f: {  	[tilespmem:s2+$0x67D0] =	vst v0  }
0x20: {  	[tilespmem:s2+$0x67E0] =	vst v0;
	s2 =	sshra.s32 s31, $0x2;
	s31 =	sadd.s32 $0x200, s31  }
0x21: {  	[tilespmem:s2+$0x67F0] =	vst v0  }
0x22: {  	[tilespmem:s2+$0x6780] =	vst v0  }
0x23: {  	[tilespmem:s2+$0x6790] =	vst v0  }
0x24: {  	[tilespmem:s2+$0x67A0] =	vst v0  }
0x25: {  	[tilespmem:s2+$0x67B0] =	vst v0  }
0x26: {  	[tilespmem:s2+$0x67C0] =	vst v0  }
0x27: {  	[tilespmem:s2+$0x67D0] =	vst v0  }
0x28: {  	[tilespmem:s2+$0x67E0] =	vst v0  }
0x29: {  	[spmem:s7] =	stream.linear.scatter [tilespmem:s20], [sflag:$0x4], $0x2800, $0x38;
	[tilespmem:$0x1F000] =	vst v63  }
0x2a: {  	_ =	swait.ge [sflag:s21], $0x2800  }
0x2b: {  	[sflag:s21] =	ssyncset.done $0x0  }
0x2c: {  	[sflag:s21] =	ssyncadd.s32 $0xFFFFD800  }
0x2d: {  	[spmem:s11] =	stream.linear.scatter [tilespmem:s20], [sflag:$0x4], $0x2800, $0x38;
	[tilespmem:$0x1F000] =	vst v63  }
0x2e: {  	_ =	swait.ge [sflag:s21], $0x2800  }
0x2f: {  	[sflag:s21] =	ssyncset.done $0x0  }
0x30: {  	[sflag:s21] =	ssyncadd.s32 $0xFFFFD800  }
0x31: {  	[spmem:s12] =	stream.linear.scatter [tilespmem:s20], [sflag:$0x4], $0x2800, $0x38;
	[tilespmem:$0x1F000] =	vst v63  }
0x32: {  	_ =	swait.ge [sflag:s21], $0x2800  }
0x33: {  	[sflag:s21] =	ssyncset.done $0x0  }
0x34: {  	[sflag:s21] =	ssyncadd.s32 $0xFFFFD800  }
0x35: {  	[spmem:s13] =	stream.linear.scatter [tilespmem:s20], [sflag:$0x4], $0x2800, $0x38;
	[tilespmem:$0x1F000] =	vst v63  }
0x36: {  	_ =	swait.ge [sflag:s21], $0x2800  }
0x37: {  	[sflag:s21] =	ssyncset.done $0x0  }
0x38: {  	[sflag:s21] =	ssyncadd.s32 $0xFFFFD800  }
0x39: {  	[spmem:s14] =	stream.linear.scatter [tilespmem:s20], [sflag:$0x4], $0x2800, $0x38;
	[tilespmem:$0x1F000] =	vst v63  }
0x3a: {  	_ =	swait.ge [sflag:s21], $0x2800  }
0x3b: {  	[sflag:s21] =	ssyncset.done $0x0  }
0x3c: {  	[sflag:s21] =	ssyncadd.s32 $0xFFFFD800  }
0x3d: {  	[spmem:s15] =	stream.linear.scatter [tilespmem:s20], [sflag:$0x4], $0x2800, $0x38;
	[tilespmem:$0x1F000] =	vst v63  }
0x3e: {  	_ =	swait.ge [sflag:s21], $0x2800  }
0x3f: {  	[sflag:s21] =	ssyncset.done $0x0  }
0x40: {  	[sflag:s21] =	ssyncadd.s32 $0xFFFFD800  }
0x41: {  	[spmem:s16] =	stream.linear.scatter [tilespmem:s20], [sflag:$0x4], $0x2800, $0x38;
	[tilespmem:$0x1F000] =	vst v63  }
0x42: {  	_ =	swait.ge [sflag:s21], $0x2800  }
0x43: {  	[sflag:s21] =	ssyncset.done $0x0  }
0x44: {  	[sflag:s21] =	ssyncadd.s32 $0xFFFFD800  }
0x45: {  	[spmem:s8] =	stream.linear.scatter [tilespmem:s20], [sflag:$0x4], $0x2080, $0x38;
	[tilespmem:$0x1F000] =	vst v63  }
0x46: {  	_ =	swait.ge [sflag:s21], $0x2080  }
0x47: {  	[sflag:s21] =	ssyncset.done $0x0  }
0x48: {  	[sflag:s21] =	ssyncadd.s32 $0xFFFFDF80  }
0x49: {  	_ =	swait.ge [sflag:s22], $0x2780  }
0x4a: {  	[sflag:s22] =	ssyncset.done $0x0  }
0x4b: {  	[sflag:s22] =	ssyncadd.s32 $0xFFFFD880  }
0x4c: {  	_ =	swait.ge [sflag:s22], $0x3E80  }
0x4d: {  	[sflag:s22] =	ssyncset.done $0x0  }
0x4e: {  	[sflag:s22] =	ssyncadd.s32 $0xFFFFC180  }
0x4f: {  	s31 =	simm.s32 $0x50;
	s0 =	simm.s32 $0x0;
	[bflag:$0x0] =	sbarrier.arrive $0xFFFF  }
0x50: {  	[tilespmem:s20], [sflag:$0x2] =	stream.indirect.gather [hbm4b:s1+s31], $0x80, s0, s31, $0xb8;
	[tilespmem:$0x1F000] =	vst v63  }
0x51: {  	_ =	swait.ge [sflag:s23], $0x2800  }
0x52: {  	[sflag:s23] =	ssyncset.done $0x0  }
0x53: {  	[sflag:s23] =	ssyncadd.s32 $0xFFFFD800  }
0x54: {  	[tilespmem:s26], [sflag:$0x3] =	stream.indirect.gather [hbm4b:s1+s24], $0x80, s31, s24, $0xb8;
	[tilespmem:$0x1F000] =	vst v63  }
0x55: {  	s17 =	simm.s32 $0x2780  }
0x56: {  	[spmem:s3] =	stream.indirect.scatter.add.f32 [tilespmem:s20], [sflag:$0x4], $0x80, s17, s24, $0xb8;
	[tilespmem:$0x1F000] =	vst v63  }
0x57: {  	_ =	swait.ge [sflag:s21], $0x2800  }
0x58: {  	[sflag:s21] =	ssyncset.done $0x0  }
0x59: {  	[sflag:s21] =	ssyncadd.s32 $0xFFFFD800  }
0x5a: {  	_ =	swait.ge [sflag:s28], $0x2800  }
0x5b: {  	[sflag:s28] =	ssyncset.done $0x0  }
0x5c: {  	s0 =	simm.s32 $0xA0;
	[sflag:s28] =	ssyncadd.s32 $0xFFFFD800  }
0x5d: {  	[tilespmem:s20], [sflag:$0x2] =	stream.indirect.gather [hbm4b:s1+s24], $0x80, s0, s24, $0xb8;
	[tilespmem:$0x1F000] =	vst v63  }
0x5e: {  	s17 =	simm.s32 $0x2800  }
0x5f: {  	[spmem:s3] =	stream.indirect.scatter.add.f32 [tilespmem:s26], [sflag:$0x4], $0x80, s17, s24, $0xb8;
	[tilespmem:$0x1F000] =	vst v63  }
0x60: {  	_ =	swait.ge [sflag:s21], $0x2800  }
0x61: {  	s2 =	simm.s32 $0x400;
	[sflag:s21] =	ssyncset.done $0x0  }
.LBB2_4:
0x62: {  	p1 =	sne.s32 s2, $0xF400;
	[sflag:s21] =	ssyncadd.s32 $0xFFFFD800;
	s31 =	sadd.s32 $0xA0, s31  }
0x63: {  	s0 =	smov.u32 s2;
	s2 =	sadd.s32 $0x400, s2  }
0x64: {  	_ =	swait.ge [sflag:s23], $0x2800  }
0x65: {  	[sflag:s23] =	ssyncset.done $0x0  }
0x66: {  	s0 =	sshra.s32 s0, $0x2;
	[sflag:s23] =	ssyncadd.s32 $0xFFFFD800  }
0x67: {  	[tilespmem:s26], [sflag:$0x3] =	stream.indirect.gather [hbm4b:s1+s24], $0x80, s31, s24, $0xb8;
	[tilespmem:$0x1F000] =	vst v63  }
0x68: {  	s17 =	sadd.s32 $0x2780, s0  }
0x69: {  	[spmem:s3] =	stream.indirect.scatter.add.f32 [tilespmem:s20], [sflag:$0x4], $0x80, s17, s24, $0xb8;
	[tilespmem:$0x1F000] =	vst v63  }
0x6a: {  	_ =	swait.ge [sflag:s21], $0x2800  }
0x6b: {  	[sflag:s21] =	ssyncset.done $0x0  }
0x6c: {  	[sflag:s21] =	ssyncadd.s32 $0xFFFFD800  }
0x6d: {  	_ =	swait.ge [sflag:s28], $0x2800  }
0x6e: {  	[sflag:s28] =	ssyncset.done $0x0  }
0x6f: {  	s17 =	sadd.s32 $0x50, s31;
	[sflag:s28] =	ssyncadd.s32 $0xFFFFD800  }
0x70: {  	[tilespmem:s20], [sflag:$0x2] =	stream.indirect.gather [hbm4b:s1+s24], $0x80, s17, s24, $0xb8;
	[tilespmem:$0x1F000] =	vst v63  }
.Ltmp1:
0x71: {  	_ = 	snop;
	(pc) =	sbr.rel @p1 .LBB2_4-.Ltmp1, $4  }
0x72: {  	s0 =	sadd.s32 $0x2800, s0  }
0x73: {  	[spmem:s3] =	stream.indirect.scatter.add.f32 [tilespmem:s26], [sflag:$0x4], $0x80, s0, s24, $0xb8;
	[tilespmem:$0x1F000] =	vst v63  }
0x74: {  	_ =	swait.ge [sflag:s21], $0x2800  }
0x75: {  	[sflag:s21] =	ssyncset.done $0x0  }
0x76: {  	[sflag:s21] =	ssyncadd.s32 $0xFFFFD800  }
0x77: {  	_ =	swait.ge [sflag:s23], $0x2800  }
0x78: {  	[sflag:s23] =	ssyncset.done $0x0  }
0x79: {  	[sflag:s23] =	ssyncadd.s32 $0xFFFFD800  }
0x7a: {  	[spmem:s3] =	stream.indirect.scatter.add.f32 [tilespmem:s20], [sflag:$0x4], $0x80, s29, s24, $0xb8;
	[tilespmem:$0x1F000] =	vst v63  }
0x7b: {  	_ =	swait.ge [sflag:s21], $0x2800  }
0x7c: {  	[sflag:s21] =	ssyncset.done $0x0  }
0x7d: {  	s0 =	sshll.u32 @!p0 s18, $0x6;
	s30 =	sadd.s32 $0x1, s30;
	[sflag:s21] =	ssyncadd.s32 $0xFFFFD800  }
0x7e: {  	s0 =	sor.u32 @!p0 $0x1C04, s0;
	p1 =	sne.s32 s30, s10;
	[bflag:$0x0] =	sbarrier.arrive $0xFFFF  }
0x7f: {  	[hbm:s9], [sflag:s0] =	dma.local @!p0 [spmem:s25], $0x3E80  }
.Ltmp2:
0x80: {  	_ = 	snop;
	(pc) =	sbr.rel @p1 .LBB2_1-.Ltmp2, $4  }
0x81: {  	s0 =	simm.s32 @!p0 $0x4  }
0x82: {  	_ =	swait.ge @!p0 [sflag:s0], $0x3E80  }
0x83: {  	[sflag:s0] =	ssyncset.done @!p0 $0x0  }
0x84: {  	[sflag:s0] =	ssyncadd.s32 @!p0 $0xFFFFC180  }
0x85: {  	_ =	sfence.sel $0x180000  }
0x86: {  	[bflag:$0x0] =	sbarrier.arrive $0xFFFF  }
0x87: {  	_ =	strace $0x90000047  }
0x88: {  	[bflag:$0x2] =	sbarrier.arrive $0xFFFF  }
0x89: {  	p0 =	sne.s32 s18, $0x0;
	s0 =	rddreg [dreg:$0x3]  }
0x8a: {  	s0 =	sadd.s32 @!p0 $0x100000, s0  }
0x8b: {  	[sflag:s0] =	ssyncadd.tile.s32 @!p0 $0x1;
	_ =	shalt  }
.Lfunc_end2:
_tile_overlayer_lowered:
.L_overlay_start_2:
0x8c: {  	(tag) =	ssettag $0x2  }
0x8d: {  	s0 =	rddreg [dreg:$0x0];
	s2 =	stileid.u32  }
0x8e: {  	s1 =	rddreg [dreg:$0x1];
	p0 =	sne.s32 s2, $0x0  }
0x8f: {  	s3 =	rddreg [dreg:$0x2];
	[bflag:$0x3] =	sbarrier.arrive $0xFFFF;
	s2 =	simm.s32 @!p0 $0x1C04  }
0x90: {  	[timem:s3], [sflag:s2] =	dma.local @!p0 [hbm:s0], s1  }
0x91: {  	s0 =	simm.s32 @!p0 $0x4  }
0x92: {  	_ =	swait.ge @!p0 [sflag:s0], s1  }
0x93: {  	s1 =	ssub.s32 @!p0 $0x0, s1;
	[sflag:s0] =	ssyncset.done @!p0 $0x0  }
0x94: {  	[sflag:s0] =	ssyncadd.s32 @!p0 s1  }
0x95: {  	[bflag:$0x3] =	sbarrier.arrive $0xFFFF  }
0x96: {  	_ =	shalt  }

</sc_bundles>
